<compile_context>
chip_gen: v7x
topology: tpu7x:2x2x1
jax: 0.10.2.dev20260603
libtpu: 0.0.44.dev20260713+nightly
codegen_flags: <defaults>
</compile_context>

<pallas_src>
import jax
import jax.numpy as jnp
from jax import lax
from jax.experimental import pallas as pl
from jax.experimental.pallas import tpu as pltpu
from jax.experimental.pallas import tpu_sc as plsc

BATCH = 16384
EMBED_DIM = 128
N_TOTAL = float(BATCH * EMBED_DIM)

NC = 2
NS = 16
NW = NC * NS
LANES = 16
NCOLG = EMBED_DIM // LANES
SC_ROWS = 4096
TILE_ROWS = SC_ROWS // NW
CHUNK_ROWS = TILE_ROWS // 2
NCHUNK = TILE_ROWS // CHUNK_ROWS

TC_BLOCK_ROWS = 4096
TC_GRID = (BATCH - SC_ROWS) // TC_BLOCK_ROWS
TC_BLOCK_OFF = SC_ROWS // TC_BLOCK_ROWS


def _sc_tile_body(a_hbm, b_hbm, out_hbm, abuf, bbuf, stbuf, *sems):
    wid = lax.axis_index("s") * NC + lax.axis_index("c")
    base = wid * TILE_ROWS

    descs = [None, None]

    def issue(c, slot):
        off = base + c * CHUNK_ROWS
        da = pltpu.async_copy(a_hbm.at[pl.ds(off, CHUNK_ROWS), :],
                              abuf.at[slot], sems[2 * slot])
        db = pltpu.async_copy(b_hbm.at[pl.ds(off, CHUNK_ROWS), :],
                              bbuf.at[slot], sems[2 * slot + 1])
        descs[slot] = (da, db)

    zero = jnp.zeros((LANES,), jnp.float32)
    acc_e = (zero,) * NCOLG
    acc_m = (zero,) * NCOLG

    issue(0, 0)
    for c in range(NCHUNK):
        slot = c % 2
        if c + 1 < NCHUNK:
            issue(c + 1, (c + 1) % 2)
        da, db = descs[slot]
        da.wait()
        db.wait()

        def body(r, carry, _slot=slot):
            es, ms = carry
            new_es, new_ms = [], []
            for u in range(NCOLG):
                av = abuf[_slot, r, pl.ds(u * LANES, LANES)]
                bv = bbuf[_slot, r, pl.ds(u * LANES, LANES)]
                m = av * bv
                new_es.append(es[u] + jnp.exp(m))
                new_ms.append(ms[u] + m)
            return tuple(new_es), tuple(new_ms)

        acc_e, acc_m = lax.fori_loop(0, CHUNK_ROWS, body, (acc_e, acc_m))

    sum_e = zero
    sum_m = zero
    for u in range(NCOLG):
        sum_e = sum_e + acc_e[u]
        sum_m = sum_m + acc_m[u]

    stbuf[0, :] = sum_e
    stbuf[1, :] = sum_m
    pltpu.sync_copy(stbuf, out_hbm.at[wid])


def _tc_kernel(cw_ref, xw_ref, out_ref, acc_ref):
    i = pl.program_id(0)

    @pl.when(i == 0)
    def _init():
        acc_ref[0] = 0.0
        acc_ref[1] = 0.0

    mul = cw_ref[...] * xw_ref[...]
    acc_ref[0] += jnp.sum(jnp.exp(mul))
    acc_ref[1] += jnp.sum(mul)

    @pl.when(i == TC_GRID - 1)
    def _fini():
        out_ref[0] = acc_ref[0]
        out_ref[1] = acc_ref[1]


@jax.jit
def kernel(center_word, context_word, center_emb, context_emb):
    del center_emb, context_emb

    sc_call = pl.kernel(
        _sc_tile_body,
        out_type=jax.ShapeDtypeStruct((NW, 2, LANES), jnp.float32),
        mesh=plsc.VectorSubcoreMesh(core_axis_name="c", subcore_axis_name="s"),
        scratch_types=[
            pltpu.VMEM((2, CHUNK_ROWS, EMBED_DIM), jnp.float32),
            pltpu.VMEM((2, CHUNK_ROWS, EMBED_DIM), jnp.float32),
            pltpu.VMEM((2, LANES), jnp.float32),
            pltpu.SemaphoreType.DMA,
            pltpu.SemaphoreType.DMA,
            pltpu.SemaphoreType.DMA,
            pltpu.SemaphoreType.DMA,
        ],
    )
    sc_partials = sc_call(center_word[:SC_ROWS], context_word[:SC_ROWS])

    tc_partials = pl.pallas_call(
        _tc_kernel,
        grid=(TC_GRID,),
        in_specs=[
            pl.BlockSpec((TC_BLOCK_ROWS, EMBED_DIM),
                         lambda i: (i + TC_BLOCK_OFF, 0)),
            pl.BlockSpec((TC_BLOCK_ROWS, EMBED_DIM),
                         lambda i: (i + TC_BLOCK_OFF, 0)),
        ],
        out_specs=pl.BlockSpec(memory_space=pltpu.SMEM),
        out_shape=jax.ShapeDtypeStruct((2,), jnp.float32),
        scratch_shapes=[pltpu.SMEM((2,), jnp.float32)],
    )(center_word, context_word)

    sum_exp = tc_partials[0] + jnp.sum(sc_partials[:, 0, :])
    sum_mul = tc_partials[1] + jnp.sum(sc_partials[:, 1, :])
    return N_TOTAL * jnp.log(sum_exp) - sum_mul

# --- scband reference (transcript-rebuilt; emitter-appended) ---
"""Pipeline reference for scband-word-vec-41738492182770 (READ-ONLY COPY).

The authoritative reference and input builder live on the scoring server;
editing this copy changes nothing except your own understanding.
"""

import jax, jax.numpy as jnp
import numpy as np
import math

V = 100000
EMBED_DIM = 128
BATCH = 16384

def setup_inputs(seed: int = 0) -> dict:
    key = jax.random.key(seed)
    k1, k2, k3, k4 = jax.random.split(key, 4)
    center_word = jax.random.normal(k1, (BATCH, EMBED_DIM), dtype=jnp.float32)
    context_word = jax.random.normal(k2, (BATCH, EMBED_DIM), dtype=jnp.float32)
    std = 1.0 / math.sqrt(EMBED_DIM)
    center_emb = jnp.clip(jax.random.normal(k3, (V, EMBED_DIM), dtype=jnp.float32) * std, -1.0, 1.0)
    context_emb = jnp.clip(jax.random.normal(k4, (V, EMBED_DIM), dtype=jnp.float32) * std, -1.0 + 1e-10, 1.0 - 1e-10)
    return {"center_word": center_word, "context_word": context_word, "center_emb": center_emb, "context_emb": context_emb}

def reference(center_word, context_word, center_emb, context_emb):
    # loss_func == 'nll' branch of WordVec.forward:
    # mul = context_word.mul(center_word)
    # log_sum_exp = log(exp(mul).sum())
    # loss = sum(log_sum_exp - mul)
    # Note: the embedding tables are module parameters but are NOT used in the
    # 'nll' forward path; they are materialized here for faithfulness to __init__.
    mul = context_word * center_word
    log_sum_exp = jnp.log(jnp.sum(jnp.exp(mul)))
    loss = jnp.sum(log_sum_exp - mul)
    return loss

if __name__ == "__main__":
    import jax
    _d = setup_inputs()
    print(jax.jit(kernel)(*tuple(_d.values())))

</pallas_src>

<mosaic_0001>
#map = affine_map<(d0, d1) -> (0, 0)>
#map1 = affine_map<(d0, d1) -> (0, 0, 0)>
module attributes {stable_mosaic.version = 14 : i64} {
  func.func @_sc_tile_body(%arg0: i32, %arg1: i32, %arg2: memref<4096x128xf32, #tpu.memory_space<hbm>>, %arg3: memref<4096x128xf32, #tpu.memory_space<hbm>>, %arg4: memref<32x2x16xf32, #tpu.memory_space<hbm>>, %arg5: memref<2x64x128xf32, #tpu.memory_space<vmem>>, %arg6: memref<2x64x128xf32, #tpu.memory_space<vmem>>, %arg7: memref<2x16xf32, #tpu.memory_space<vmem>>, %arg8: memref<!tpu.dma_semaphore, #tpu.memory_space<semaphore_mem>>, %arg9: memref<!tpu.dma_semaphore, #tpu.memory_space<semaphore_mem>>, %arg10: memref<!tpu.dma_semaphore, #tpu.memory_space<semaphore_mem>>, %arg11: memref<!tpu.dma_semaphore, #tpu.memory_space<semaphore_mem>>) attributes {dimension_semantics = [#tpu.dimension_semantics<core_parallel>, #tpu.dimension_semantics<subcore_parallel>], iteration_bounds = array<i64: 2, 16>, scalar_prefetch = 0 : i64, scratch_operands = 7 : i64, tpu.core_type = #tpu.core_type<sc_vector_subcore>, window_params = [{transform_indices = #map}, {transform_indices = #map}, {transform_indices = #map1}]} {
    %mul3A = arith.constant 2 : i32
    %mul3A_0 = arith.muli %arg1, %mul3A : i32
    %add3A = arith.addi %mul3A_0, %arg0 : i32
    %mul3A_1 = arith.constant 128 : i32
    %mul3A_2 = arith.muli %add3A, %mul3A_1 : i32
    %broadcast_in_dim3A = arith.constant 0.000000e+00 : f32
    %broadcast_in_dim3A_3 = vector.broadcast %broadcast_in_dim3A : f32 to vector<16xf32>
    %add3A_4 = arith.constant 0 : i32
    %add3A_5 = arith.addi %mul3A_2, %add3A_4 : i32
    %dma_start3A = arith.constant 0 : i32
    %dma_start3A_6 = arith.constant 0 : i32
    %dma_start3A_7 = arith.constant 0 : i32
    %dma_start3A_8 = tpu.memref_slice %arg5[%dma_start3A, %dma_start3A_6, %dma_start3A_7] : memref<2x64x128xf32, #tpu.memory_space<vmem>> -> memref<1x64x128xf32, #tpu.memory_space<vmem>>
    %dma_start3A_9 = tpu.memref_squeeze %dma_start3A_8 : memref<1x64x128xf32, #tpu.memory_space<vmem>> -> memref<64x128xf32, #tpu.memory_space<vmem>>
    %dma_start3A_10 = arith.constant 0 : i32
    %dma_start3A_11 = tpu.memref_slice %arg2[%add3A_5, %dma_start3A_10] : memref<4096x128xf32, #tpu.memory_space<hbm>> -> memref<64x128xf32, #tpu.memory_space<hbm>>
    %dma_start3A_12 = arith.constant 0 : i32
    %dma_start3A_13 = arith.constant 0 : i32
    %dma_start3A_14 = tpu.memref_slice %arg5[%dma_start3A, %dma_start3A_12, %dma_start3A_13] : memref<2x64x128xf32, #tpu.memory_space<vmem>> -> memref<1x64x128xf32, #tpu.memory_space<vmem>>
    %dma_start3A_15 = tpu.memref_squeeze %dma_start3A_14 : memref<1x64x128xf32, #tpu.memory_space<vmem>> -> memref<64x128xf32, #tpu.memory_space<vmem>>
    %dma_start3A_16 = arith.constant 0 : i32
    %dma_start3A_17 = tpu.memref_slice %arg2[%add3A_5, %dma_start3A_16] : memref<4096x128xf32, #tpu.memory_space<hbm>> -> memref<64x128xf32, #tpu.memory_space<hbm>>
    tpu.enqueue_dma source(%dma_start3A_17 : memref<64x128xf32, #tpu.memory_space<hbm>>) target(%dma_start3A_15 : memref<64x128xf32, #tpu.memory_space<vmem>>) target_semaphore(%arg8 : memref<!tpu.dma_semaphore, #tpu.memory_space<semaphore_mem>>)
    %dma_start3A_18 = arith.constant 0 : i32
    %dma_start3A_19 = arith.constant 0 : i32
    %dma_start3A_20 = arith.constant 0 : i32
    %dma_start3A_21 = tpu.memref_slice %arg6[%dma_start3A_18, %dma_start3A_19, %dma_start3A_20] : memref<2x64x128xf32, #tpu.memory_space<vmem>> -> memref<1x64x128xf32, #tpu.memory_space<vmem>>
    %dma_start3A_22 = tpu.memref_squeeze %dma_start3A_21 : memref<1x64x128xf32, #tpu.memory_space<vmem>> -> memref<64x128xf32, #tpu.memory_space<vmem>>
    %dma_start3A_23 = arith.constant 0 : i32
    %dma_start3A_24 = tpu.memref_slice %arg3[%add3A_5, %dma_start3A_23] : memref<4096x128xf32, #tpu.memory_space<hbm>> -> memref<64x128xf32, #tpu.memory_space<hbm>>
    %dma_start3A_25 = arith.constant 0 : i32
    %dma_start3A_26 = arith.constant 0 : i32
    %dma_start3A_27 = tpu.memref_slice %arg6[%dma_start3A_18, %dma_start3A_25, %dma_start3A_26] : memref<2x64x128xf32, #tpu.memory_space<vmem>> -> memref<1x64x128xf32, #tpu.memory_space<vmem>>
    %dma_start3A_28 = tpu.memref_squeeze %dma_start3A_27 : memref<1x64x128xf32, #tpu.memory_space<vmem>> -> memref<64x128xf32, #tpu.memory_space<vmem>>
    %dma_start3A_29 = arith.constant 0 : i32
    %dma_start3A_30 = tpu.memref_slice %arg3[%add3A_5, %dma_start3A_29] : memref<4096x128xf32, #tpu.memory_space<hbm>> -> memref<64x128xf32, #tpu.memory_space<hbm>>
    tpu.enqueue_dma source(%dma_start3A_30 : memref<64x128xf32, #tpu.memory_space<hbm>>) target(%dma_start3A_28 : memref<64x128xf32, #tpu.memory_space<vmem>>) target_semaphore(%arg9 : memref<!tpu.dma_semaphore, #tpu.memory_space<semaphore_mem>>)
    %add3A_31 = arith.constant 64 : i32
    %add3A_32 = arith.addi %mul3A_2, %add3A_31 : i32
    %dma_start3A_33 = arith.constant 1 : i32
    %dma_start3A_34 = arith.constant 0 : i32
    %dma_start3A_35 = arith.constant 0 : i32
    %dma_start3A_36 = tpu.memref_slice %arg5[%dma_start3A_33, %dma_start3A_34, %dma_start3A_35] : memref<2x64x128xf32, #tpu.memory_space<vmem>> -> memref<1x64x128xf32, #tpu.memory_space<vmem>>
    %dma_start3A_37 = tpu.memref_squeeze %dma_start3A_36 : memref<1x64x128xf32, #tpu.memory_space<vmem>> -> memref<64x128xf32, #tpu.memory_space<vmem>>
    %dma_start3A_38 = arith.constant 0 : i32
    %dma_start3A_39 = tpu.memref_slice %arg2[%add3A_32, %dma_start3A_38] : memref<4096x128xf32, #tpu.memory_space<hbm>> -> memref<64x128xf32, #tpu.memory_space<hbm>>
    %dma_start3A_40 = arith.constant 0 : i32
    %dma_start3A_41 = arith.constant 0 : i32
    %dma_start3A_42 = tpu.memref_slice %arg5[%dma_start3A_33, %dma_start3A_40, %dma_start3A_41] : memref<2x64x128xf32, #tpu.memory_space<vmem>> -> memref<1x64x128xf32, #tpu.memory_space<vmem>>
    %dma_start3A_43 = tpu.memref_squeeze %dma_start3A_42 : memref<1x64x128xf32, #tpu.memory_space<vmem>> -> memref<64x128xf32, #tpu.memory_space<vmem>>
    %dma_start3A_44 = arith.constant 0 : i32
    %dma_start3A_45 = tpu.memref_slice %arg2[%add3A_32, %dma_start3A_44] : memref<4096x128xf32, #tpu.memory_space<hbm>> -> memref<64x128xf32, #tpu.memory_space<hbm>>
    tpu.enqueue_dma source(%dma_start3A_45 : memref<64x128xf32, #tpu.memory_space<hbm>>) target(%dma_start3A_43 : memref<64x128xf32, #tpu.memory_space<vmem>>) target_semaphore(%arg10 : memref<!tpu.dma_semaphore, #tpu.memory_space<semaphore_mem>>)
    %dma_start3A_46 = arith.constant 1 : i32
    %dma_start3A_47 = arith.constant 0 : i32
    %dma_start3A_48 = arith.constant 0 : i32
    %dma_start3A_49 = tpu.memref_slice %arg6[%dma_start3A_46, %dma_start3A_47, %dma_start3A_48] : memref<2x64x128xf32, #tpu.memory_space<vmem>> -> memref<1x64x128xf32, #tpu.memory_space<vmem>>
    %dma_start3A_50 = tpu.memref_squeeze %dma_start3A_49 : memref<1x64x128xf32, #tpu.memory_space<vmem>> -> memref<64x128xf32, #tpu.memory_space<vmem>>
    %dma_start3A_51 = arith.constant 0 : i32
    %dma_start3A_52 = tpu.memref_slice %arg3[%add3A_32, %dma_start3A_51] : memref<4096x128xf32, #tpu.memory_space<hbm>> -> memref<64x128xf32, #tpu.memory_space<hbm>>
    %dma_start3A_53 = arith.constant 0 : i32
    %dma_start3A_54 = arith.constant 0 : i32
    %dma_start3A_55 = tpu.memref_slice %arg6[%dma_start3A_46, %dma_start3A_53, %dma_start3A_54] : memref<2x64x128xf32, #tpu.memory_space<vmem>> -> memref<1x64x128xf32, #tpu.memory_space<vmem>>
    %dma_start3A_56 = tpu.memref_squeeze %dma_start3A_55 : memref<1x64x128xf32, #tpu.memory_space<vmem>> -> memref<64x128xf32, #tpu.memory_space<vmem>>
    %dma_start3A_57 = arith.constant 0 : i32
    %dma_start3A_58 = tpu.memref_slice %arg3[%add3A_32, %dma_start3A_57] : memref<4096x128xf32, #tpu.memory_space<hbm>> -> memref<64x128xf32, #tpu.memory_space<hbm>>
    tpu.enqueue_dma source(%dma_start3A_58 : memref<64x128xf32, #tpu.memory_space<hbm>>) target(%dma_start3A_56 : memref<64x128xf32, #tpu.memory_space<vmem>>) target_semaphore(%arg11 : memref<!tpu.dma_semaphore, #tpu.memory_space<semaphore_mem>>)
    %dma_wait3A = arith.constant 0 : i32
    %dma_wait3A_59 = arith.constant 0 : i32
    %dma_wait3A_60 = arith.constant 0 : i32
    %dma_wait3A_61 = tpu.memref_slice %arg5[%dma_wait3A, %dma_wait3A_59, %dma_wait3A_60] : memref<2x64x128xf32, #tpu.memory_space<vmem>> -> memref<1x64x128xf32, #tpu.memory_space<vmem>>
    %dma_wait3A_62 = tpu.memref_squeeze %dma_wait3A_61 : memref<1x64x128xf32, #tpu.memory_space<vmem>> -> memref<64x128xf32, #tpu.memory_space<vmem>>
    %dma_wait3A_63 = arith.constant 0 : i32
    %dma_wait3A_64 = tpu.memref_slice %arg2[%add3A_5, %dma_wait3A_63] : memref<4096x128xf32, #tpu.memory_space<hbm>> -> memref<64x128xf32, #tpu.memory_space<hbm>>
    %dma_wait3A_65 = arith.constant 0 : i32
    %dma_wait3A_66 = arith.constant 0 : i32
    %dma_wait3A_67 = tpu.memref_slice %arg5[%dma_wait3A, %dma_wait3A_65, %dma_wait3A_66] : memref<2x64x128xf32, #tpu.memory_space<vmem>> -> memref<1x64x128xf32, #tpu.memory_space<vmem>>
    %dma_wait3A_68 = tpu.memref_squeeze %dma_wait3A_67 : memref<1x64x128xf32, #tpu.memory_space<vmem>> -> memref<64x128xf32, #tpu.memory_space<vmem>>
    %dma_wait3A_69 = arith.constant 0 : i32
    %dma_wait3A_70 = tpu.memref_slice %arg2[%add3A_5, %dma_wait3A_69] : memref<4096x128xf32, #tpu.memory_space<hbm>> -> memref<64x128xf32, #tpu.memory_space<hbm>>
    tpu.wait_dma2 semaphore(%arg8 : memref<!tpu.dma_semaphore, #tpu.memory_space<semaphore_mem>>) src(%dma_wait3A_70 : memref<64x128xf32, #tpu.memory_space<hbm>>) dst(%dma_wait3A_68 : memref<64x128xf32, #tpu.memory_space<vmem>>)
    %dma_wait3A_71 = arith.constant 0 : i32
    %dma_wait3A_72 = arith.constant 0 : i32
    %dma_wait3A_73 = arith.constant 0 : i32
    %dma_wait3A_74 = tpu.memref_slice %arg6[%dma_wait3A_71, %dma_wait3A_72, %dma_wait3A_73] : memref<2x64x128xf32, #tpu.memory_space<vmem>> -> memref<1x64x128xf32, #tpu.memory_space<vmem>>
    %dma_wait3A_75 = tpu.memref_squeeze %dma_wait3A_74 : memref<1x64x128xf32, #tpu.memory_space<vmem>> -> memref<64x128xf32, #tpu.memory_space<vmem>>
    %dma_wait3A_76 = arith.constant 0 : i32
    %dma_wait3A_77 = tpu.memref_slice %arg3[%add3A_5, %dma_wait3A_76] : memref<4096x128xf32, #tpu.memory_space<hbm>> -> memref<64x128xf32, #tpu.memory_space<hbm>>
    %dma_wait3A_78 = arith.constant 0 : i32
    %dma_wait3A_79 = arith.constant 0 : i32
    %dma_wait3A_80 = tpu.memref_slice %arg6[%dma_wait3A_71, %dma_wait3A_78, %dma_wait3A_79] : memref<2x64x128xf32, #tpu.memory_space<vmem>> -> memref<1x64x128xf32, #tpu.memory_space<vmem>>
    %dma_wait3A_81 = tpu.memref_squeeze %dma_wait3A_80 : memref<1x64x128xf32, #tpu.memory_space<vmem>> -> memref<64x128xf32, #tpu.memory_space<vmem>>
    %dma_wait3A_82 = arith.constant 0 : i32
    %dma_wait3A_83 = tpu.memref_slice %arg3[%add3A_5, %dma_wait3A_82] : memref<4096x128xf32, #tpu.memory_space<hbm>> -> memref<64x128xf32, #tpu.memory_space<hbm>>
    tpu.wait_dma2 semaphore(%arg9 : memref<!tpu.dma_semaphore, #tpu.memory_space<semaphore_mem>>) src(%dma_wait3A_83 : memref<64x128xf32, #tpu.memory_space<hbm>>) dst(%dma_wait3A_81 : memref<64x128xf32, #tpu.memory_space<vmem>>)
    %scan3A = arith.constant 0 : i32
    %scan3A_84 = arith.constant 64 : i32
    %scan3A_85 = arith.addi %scan3A, %scan3A_84 : i32
    %scan3A_86 = arith.constant 1 : i32
    %scan3A_87:16 = scf.for %scan3A_148 = %scan3A to %scan3A_85 step %scan3A_86 iter_args(%scan3A_149 = %broadcast_in_dim3A_3, %scan3A_150 = %broadcast_in_dim3A_3, %scan3A_151 = %broadcast_in_dim3A_3, %scan3A_152 = %broadcast_in_dim3A_3, %scan3A_153 = %broadcast_in_dim3A_3, %scan3A_154 = %broadcast_in_dim3A_3, %scan3A_155 = %broadcast_in_dim3A_3, %scan3A_156 = %broadcast_in_dim3A_3, %scan3A_157 = %broadcast_in_dim3A_3, %scan3A_158 = %broadcast_in_dim3A_3, %scan3A_159 = %broadcast_in_dim3A_3, %scan3A_160 = %broadcast_in_dim3A_3, %scan3A_161 = %broadcast_in_dim3A_3, %scan3A_162 = %broadcast_in_dim3A_3, %scan3A_163 = %broadcast_in_dim3A_3, %scan3A_164 = %broadcast_in_dim3A_3) -> (vector<16xf32>, vector<16xf32>, vector<16xf32>, vector<16xf32>, vector<16xf32>, vector<16xf32>, vector<16xf32>, vector<16xf32>, vector<16xf32>, vector<16xf32>, vector<16xf32>, vector<16xf32>, vector<16xf32>, vector<16xf32>, vector<16xf32>, vector<16xf32>)  : i32 {
      %get3A = arith.constant 0 : i32
      %get3A_165 = arith.index_cast %get3A : i32 to index
      %get3A_166 = arith.index_cast %scan3A_148 : i32 to index
      %get3A_167 = arith.constant 0 : index
      %get3A_168 = tpu.vector_load %arg5[%get3A_165, %get3A_166, %get3A_167] {strides = array<i32>} : memref<2x64x128xf32, #tpu.memory_space<vmem>>, vector<1x1x16xf32>,
      %get3A_169 = vector.shape_cast %get3A_168 : vector<1x1x16xf32> to vector<16xf32>
      %get3A_170 = arith.constant 0 : i32
      %get3A_171 = arith.index_cast %get3A_170 : i32 to index
      %get3A_172 = arith.index_cast %scan3A_148 : i32 to index
      %get3A_173 = arith.constant 0 : index
      %get3A_174 = tpu.vector_load %arg6[%get3A_171, %get3A_172, %get3A_173] {strides = array<i32>} : memref<2x64x128xf32, #tpu.memory_space<vmem>>, vector<1x1x16xf32>,
      %get3A_175 = vector.shape_cast %get3A_174 : vector<1x1x16xf32> to vector<16xf32>
      %mul3A_176 = arith.mulf %get3A_169, %get3A_175 : vector<16xf32>
      %exp3A = math.exp %mul3A_176 : vector<16xf32>
      %add3A_177 = arith.addf %scan3A_149, %exp3A : vector<16xf32>
      %add3A_178 = arith.addf %scan3A_157, %mul3A_176 : vector<16xf32>
      %get3A_179 = arith.constant 0 : i32
      %get3A_180 = arith.index_cast %get3A_179 : i32 to index
      %get3A_181 = arith.index_cast %scan3A_148 : i32 to index
      %get3A_182 = arith.constant 16 : index
      %get3A_183 = tpu.vector_load %arg5[%get3A_180, %get3A_181, %get3A_182] {strides = array<i32>} : memref<2x64x128xf32, #tpu.memory_space<vmem>>, vector<1x1x16xf32>,
      %get3A_184 = vector.shape_cast %get3A_183 : vector<1x1x16xf32> to vector<16xf32>
      %get3A_185 = arith.constant 0 : i32
      %get3A_186 = arith.index_cast %get3A_185 : i32 to index
      %get3A_187 = arith.index_cast %scan3A_148 : i32 to index
      %get3A_188 = arith.constant 16 : index
      %get3A_189 = tpu.vector_load %arg6[%get3A_186, %get3A_187, %get3A_188] {strides = array<i32>} : memref<2x64x128xf32, #tpu.memory_space<vmem>>, vector<1x1x16xf32>,
      %get3A_190 = vector.shape_cast %get3A_189 : vector<1x1x16xf32> to vector<16xf32>
      %mul3A_191 = arith.mulf %get3A_184, %get3A_190 : vector<16xf32>
      %exp3A_192 = math.exp %mul3A_191 : vector<16xf32>
      %add3A_193 = arith.addf %scan3A_150, %exp3A_192 : vector<16xf32>
      %add3A_194 = arith.addf %scan3A_158, %mul3A_191 : vector<16xf32>
      %get3A_195 = arith.constant 0 : i32
      %get3A_196 = arith.index_cast %get3A_195 : i32 to index
      %get3A_197 = arith.index_cast %scan3A_148 : i32 to index
      %get3A_198 = arith.constant 32 : index
      %get3A_199 = tpu.vector_load %arg5[%get3A_196, %get3A_197, %get3A_198] {strides = array<i32>} : memref<2x64x128xf32, #tpu.memory_space<vmem>>, vector<1x1x16xf32>,
      %get3A_200 = vector.shape_cast %get3A_199 : vector<1x1x16xf32> to vector<16xf32>
      %get3A_201 = arith.constant 0 : i32
      %get3A_202 = arith.index_cast %get3A_201 : i32 to index
      %get3A_203 = arith.index_cast %scan3A_148 : i32 to index
      %get3A_204 = arith.constant 32 : index
      %get3A_205 = tpu.vector_load %arg6[%get3A_202, %get3A_203, %get3A_204] {strides = array<i32>} : memref<2x64x128xf32, #tpu.memory_space<vmem>>, vector<1x1x16xf32>,
      %get3A_206 = vector.shape_cast %get3A_205 : vector<1x1x16xf32> to vector<16xf32>
      %mul3A_207 = arith.mulf %get3A_200, %get3A_206 : vector<16xf32>
      %exp3A_208 = math.exp %mul3A_207 : vector<16xf32>
      %add3A_209 = arith.addf %scan3A_151, %exp3A_208 : vector<16xf32>
      %add3A_210 = arith.addf %scan3A_159, %mul3A_207 : vector<16xf32>
      %get3A_211 = arith.constant 0 : i32
      %get3A_212 = arith.index_cast %get3A_211 : i32 to index
      %get3A_213 = arith.index_cast %scan3A_148 : i32 to index
      %get3A_214 = arith.constant 48 : index
      %get3A_215 = tpu.vector_load %arg5[%get3A_212, %get3A_213, %get3A_214] {strides = array<i32>} : memref<2x64x128xf32, #tpu.memory_space<vmem>>, vector<1x1x16xf32>,
      %get3A_216 = vector.shape_cast %get3A_215 : vector<1x1x16xf32> to vector<16xf32>
      %get3A_217 = arith.constant 0 : i32
      %get3A_218 = arith.index_cast %get3A_217 : i32 to index
      %get3A_219 = arith.index_cast %scan3A_148 : i32 to index
      %get3A_220 = arith.constant 48 : index
      %get3A_221 = tpu.vector_load %arg6[%get3A_218, %get3A_219, %get3A_220] {strides = array<i32>} : memref<2x64x128xf32, #tpu.memory_space<vmem>>, vector<1x1x16xf32>,
      %get3A_222 = vector.shape_cast %get3A_221 : vector<1x1x16xf32> to vector<16xf32>
      %mul3A_223 = arith.mulf %get3A_216, %get3A_222 : vector<16xf32>
      %exp3A_224 = math.exp %mul3A_223 : vector<16xf32>
      %add3A_225 = arith.addf %scan3A_152, %exp3A_224 : vector<16xf32>
      %add3A_226 = arith.addf %scan3A_160, %mul3A_223 : vector<16xf32>
      %get3A_227 = arith.constant 0 : i32
      %get3A_228 = arith.index_cast %get3A_227 : i32 to index
      %get3A_229 = arith.index_cast %scan3A_148 : i32 to index
      %get3A_230 = arith.constant 64 : index
      %get3A_231 = tpu.vector_load %arg5[%get3A_228, %get3A_229, %get3A_230] {strides = array<i32>} : memref<2x64x128xf32, #tpu.memory_space<vmem>>, vector<1x1x16xf32>,
      %get3A_232 = vector.shape_cast %get3A_231 : vector<1x1x16xf32> to vector<16xf32>
      %get3A_233 = arith.constant 0 : i32
      %get3A_234 = arith.index_cast %get3A_233 : i32 to index
      %get3A_235 = arith.index_cast %scan3A_148 : i32 to index
      %get3A_236 = arith.constant 64 : index
      %get3A_237 = tpu.vector_load %arg6[%get3A_234, %get3A_235, %get3A_236] {strides = array<i32>} : memref<2x64x128xf32, #tpu.memory_space<vmem>>, vector<1x1x16xf32>,
      %get3A_238 = vector.shape_cast %get3A_237 : vector<1x1x16xf32> to vector<16xf32>
      %mul3A_239 = arith.mulf %get3A_232, %get3A_238 : vector<16xf32>
      %exp3A_240 = math.exp %mul3A_239 : vector<16xf32>
      %add3A_241 = arith.addf %scan3A_153, %exp3A_240 : vector<16xf32>
      %add3A_242 = arith.addf %scan3A_161, %mul3A_239 : vector<16xf32>
      %get3A_243 = arith.constant 0 : i32
      %get3A_244 = arith.index_cast %get3A_243 : i32 to index
      %get3A_245 = arith.index_cast %scan3A_148 : i32 to index
      %get3A_246 = arith.constant 80 : index
      %get3A_247 = tpu.vector_load %arg5[%get3A_244, %get3A_245, %get3A_246] {strides = array<i32>} : memref<2x64x128xf32, #tpu.memory_space<vmem>>, vector<1x1x16xf32>,
      %get3A_248 = vector.shape_cast %get3A_247 : vector<1x1x16xf32> to vector<16xf32>
      %get3A_249 = arith.constant 0 : i32
      %get3A_250 = arith.index_cast %get3A_249 : i32 to index
      %get3A_251 = arith.index_cast %scan3A_148 : i32 to index
      %get3A_252 = arith.constant 80 : index
      %get3A_253 = tpu.vector_load %arg6[%get3A_250, %get3A_251, %get3A_252] {strides = array<i32>} : memref<2x64x128xf32, #tpu.memory_space<vmem>>, vector<1x1x16xf32>,
      %get3A_254 = vector.shape_cast %get3A_253 : vector<1x1x16xf32> to vector<16xf32>
      %mul3A_255 = arith.mulf %get3A_248, %get3A_254 : vector<16xf32>
      %exp3A_256 = math.exp %mul3A_255 : vector<16xf32>
      %add3A_257 = arith.addf %scan3A_154, %exp3A_256 : vector<16xf32>
      %add3A_258 = arith.addf %scan3A_162, %mul3A_255 : vector<16xf32>
      %get3A_259 = arith.constant 0 : i32
      %get3A_260 = arith.index_cast %get3A_259 : i32 to index
      %get3A_261 = arith.index_cast %scan3A_148 : i32 to index
      %get3A_262 = arith.constant 96 : index
      %get3A_263 = tpu.vector_load %arg5[%get3A_260, %get3A_261, %get3A_262] {strides = array<i32>} : memref<2x64x128xf32, #tpu.memory_space<vmem>>, vector<1x1x16xf32>,
      %get3A_264 = vector.shape_cast %get3A_263 : vector<1x1x16xf32> to vector<16xf32>
      %get3A_265 = arith.constant 0 : i32
      %get3A_266 = arith.index_cast %get3A_265 : i32 to index
      %get3A_267 = arith.index_cast %scan3A_148 : i32 to index
      %get3A_268 = arith.constant 96 : index
      %get3A_269 = tpu.vector_load %arg6[%get3A_266, %get3A_267, %get3A_268] {strides = array<i32>} : memref<2x64x128xf32, #tpu.memory_space<vmem>>, vector<1x1x16xf32>,
      %get3A_270 = vector.shape_cast %get3A_269 : vector<1x1x16xf32> to vector<16xf32>
      %mul3A_271 = arith.mulf %get3A_264, %get3A_270 : vector<16xf32>
      %exp3A_272 = math.exp %mul3A_271 : vector<16xf32>
      %add3A_273 = arith.addf %scan3A_155, %exp3A_272 : vector<16xf32>
      %add3A_274 = arith.addf %scan3A_163, %mul3A_271 : vector<16xf32>
      %get3A_275 = arith.constant 0 : i32
      %get3A_276 = arith.index_cast %get3A_275 : i32 to index
      %get3A_277 = arith.index_cast %scan3A_148 : i32 to index
      %get3A_278 = arith.constant 112 : index
      %get3A_279 = tpu.vector_load %arg5[%get3A_276, %get3A_277, %get3A_278] {strides = array<i32>} : memref<2x64x128xf32, #tpu.memory_space<vmem>>, vector<1x1x16xf32>,
      %get3A_280 = vector.shape_cast %get3A_279 : vector<1x1x16xf32> to vector<16xf32>
      %get3A_281 = arith.constant 0 : i32
      %get3A_282 = arith.index_cast %get3A_281 : i32 to index
      %get3A_283 = arith.index_cast %scan3A_148 : i32 to index
      %get3A_284 = arith.constant 112 : index
      %get3A_285 = tpu.vector_load %arg6[%get3A_282, %get3A_283, %get3A_284] {strides = array<i32>} : memref<2x64x128xf32, #tpu.memory_space<vmem>>, vector<1x1x16xf32>,
      %get3A_286 = vector.shape_cast %get3A_285 : vector<1x1x16xf32> to vector<16xf32>
      %mul3A_287 = arith.mulf %get3A_280, %get3A_286 : vector<16xf32>
      %exp3A_288 = math.exp %mul3A_287 : vector<16xf32>
      %add3A_289 = arith.addf %scan3A_156, %exp3A_288 : vector<16xf32>
      %add3A_290 = arith.addf %scan3A_164, %mul3A_287 : vector<16xf32>
      scf.yield %add3A_177, %add3A_193, %add3A_209, %add3A_225, %add3A_241, %add3A_257, %add3A_273, %add3A_289, %add3A_178, %add3A_194, %add3A_210, %add3A_226, %add3A_242, %add3A_258, %add3A_274, %add3A_290 : vector<16xf32>, vector<16xf32>, vector<16xf32>, vector<16xf32>, vector<16xf32>, vector<16xf32>, vector<16xf32>, vector<16xf32>, vector<16xf32>, vector<16xf32>, vector<16xf32>, vector<16xf32>, vector<16xf32>, vector<16xf32>, vector<16xf32>, vector<16xf32>
    }
    %scan3A_88 = arith.constant 64 : i32
    %dma_wait3A_89 = arith.constant 1 : i32
    %dma_wait3A_90 = arith.constant 0 : i32
    %dma_wait3A_91 = arith.constant 0 : i32
    %dma_wait3A_92 = tpu.memref_slice %arg5[%dma_wait3A_89, %dma_wait3A_90, %dma_wait3A_91] : memref<2x64x128xf32, #tpu.memory_space<vmem>> -> memref<1x64x128xf32, #tpu.memory_space<vmem>>
    %dma_wait3A_93 = tpu.memref_squeeze %dma_wait3A_92 : memref<1x64x128xf32, #tpu.memory_space<vmem>> -> memref<64x128xf32, #tpu.memory_space<vmem>>
    %dma_wait3A_94 = arith.constant 0 : i32
    %dma_wait3A_95 = tpu.memref_slice %arg2[%add3A_32, %dma_wait3A_94] : memref<4096x128xf32, #tpu.memory_space<hbm>> -> memref<64x128xf32, #tpu.memory_space<hbm>>
    %dma_wait3A_96 = arith.constant 0 : i32
    %dma_wait3A_97 = arith.constant 0 : i32
    %dma_wait3A_98 = tpu.memref_slice %arg5[%dma_wait3A_89, %dma_wait3A_96, %dma_wait3A_97] : memref<2x64x128xf32, #tpu.memory_space<vmem>> -> memref<1x64x128xf32, #tpu.memory_space<vmem>>
    %dma_wait3A_99 = tpu.memref_squeeze %dma_wait3A_98 : memref<1x64x128xf32, #tpu.memory_space<vmem>> -> memref<64x128xf32, #tpu.memory_space<vmem>>
    %dma_wait3A_100 = arith.constant 0 : i32
    %dma_wait3A_101 = tpu.memref_slice %arg2[%add3A_32, %dma_wait3A_100] : memref<4096x128xf32, #tpu.memory_space<hbm>> -> memref<64x128xf32, #tpu.memory_space<hbm>>
    tpu.wait_dma2 semaphore(%arg10 : memref<!tpu.dma_semaphore, #tpu.memory_space<semaphore_mem>>) src(%dma_wait3A_101 : memref<64x128xf32, #tpu.memory_space<hbm>>) dst(%dma_wait3A_99 : memref<64x128xf32, #tpu.memory_space<vmem>>)
    %dma_wait3A_102 = arith.constant 1 : i32
    %dma_wait3A_103 = arith.constant 0 : i32
    %dma_wait3A_104 = arith.constant 0 : i32
    %dma_wait3A_105 = tpu.memref_slice %arg6[%dma_wait3A_102, %dma_wait3A_103, %dma_wait3A_104] : memref<2x64x128xf32, #tpu.memory_space<vmem>> -> memref<1x64x128xf32, #tpu.memory_space<vmem>>
    %dma_wait3A_106 = tpu.memref_squeeze %dma_wait3A_105 : memref<1x64x128xf32, #tpu.memory_space<vmem>> -> memref<64x128xf32, #tpu.memory_space<vmem>>
    %dma_wait3A_107 = arith.constant 0 : i32
    %dma_wait3A_108 = tpu.memref_slice %arg3[%add3A_32, %dma_wait3A_107] : memref<4096x128xf32, #tpu.memory_space<hbm>> -> memref<64x128xf32, #tpu.memory_space<hbm>>
    %dma_wait3A_109 = arith.constant 0 : i32
    %dma_wait3A_110 = arith.constant 0 : i32
    %dma_wait3A_111 = tpu.memref_slice %arg6[%dma_wait3A_102, %dma_wait3A_109, %dma_wait3A_110] : memref<2x64x128xf32, #tpu.memory_space<vmem>> -> memref<1x64x128xf32, #tpu.memory_space<vmem>>
    %dma_wait3A_112 = tpu.memref_squeeze %dma_wait3A_111 : memref<1x64x128xf32, #tpu.memory_space<vmem>> -> memref<64x128xf32, #tpu.memory_space<vmem>>
    %dma_wait3A_113 = arith.constant 0 : i32
    %dma_wait3A_114 = tpu.memref_slice %arg3[%add3A_32, %dma_wait3A_113] : memref<4096x128xf32, #tpu.memory_space<hbm>> -> memref<64x128xf32, #tpu.memory_space<hbm>>
    tpu.wait_dma2 semaphore(%arg11 : memref<!tpu.dma_semaphore, #tpu.memory_space<semaphore_mem>>) src(%dma_wait3A_114 : memref<64x128xf32, #tpu.memory_space<hbm>>) dst(%dma_wait3A_112 : memref<64x128xf32, #tpu.memory_space<vmem>>)
    %scan3A_115 = arith.constant 0 : i32
    %scan3A_116 = arith.constant 64 : i32
    %scan3A_117 = arith.addi %scan3A_115, %scan3A_116 : i32
    %scan3A_118 = arith.constant 1 : i32
    %scan3A_119:16 = scf.for %scan3A_148 = %scan3A_115 to %scan3A_117 step %scan3A_118 iter_args(%scan3A_149 = %scan3A_87#0, %scan3A_150 = %scan3A_87#1, %scan3A_151 = %scan3A_87#2, %scan3A_152 = %scan3A_87#3, %scan3A_153 = %scan3A_87#4, %scan3A_154 = %scan3A_87#5, %scan3A_155 = %scan3A_87#6, %scan3A_156 = %scan3A_87#7, %scan3A_157 = %scan3A_87#8, %scan3A_158 = %scan3A_87#9, %scan3A_159 = %scan3A_87#10, %scan3A_160 = %scan3A_87#11, %scan3A_161 = %scan3A_87#12, %scan3A_162 = %scan3A_87#13, %scan3A_163 = %scan3A_87#14, %scan3A_164 = %scan3A_87#15) -> (vector<16xf32>, vector<16xf32>, vector<16xf32>, vector<16xf32>, vector<16xf32>, vector<16xf32>, vector<16xf32>, vector<16xf32>, vector<16xf32>, vector<16xf32>, vector<16xf32>, vector<16xf32>, vector<16xf32>, vector<16xf32>, vector<16xf32>, vector<16xf32>)  : i32 {
      %get3A = arith.constant 1 : i32
      %get3A_165 = arith.index_cast %get3A : i32 to index
      %get3A_166 = arith.index_cast %scan3A_148 : i32 to index
      %get3A_167 = arith.constant 0 : index
      %get3A_168 = tpu.vector_load %arg5[%get3A_165, %get3A_166, %get3A_167] {strides = array<i32>} : memref<2x64x128xf32, #tpu.memory_space<vmem>>, vector<1x1x16xf32>,
      %get3A_169 = vector.shape_cast %get3A_168 : vector<1x1x16xf32> to vector<16xf32>
      %get3A_170 = arith.constant 1 : i32
      %get3A_171 = arith.index_cast %get3A_170 : i32 to index
      %get3A_172 = arith.index_cast %scan3A_148 : i32 to index
      %get3A_173 = arith.constant 0 : index
      %get3A_174 = tpu.vector_load %arg6[%get3A_171, %get3A_172, %get3A_173] {strides = array<i32>} : memref<2x64x128xf32, #tpu.memory_space<vmem>>, vector<1x1x16xf32>,
      %get3A_175 = vector.shape_cast %get3A_174 : vector<1x1x16xf32> to vector<16xf32>
      %mul3A_176 = arith.mulf %get3A_169, %get3A_175 : vector<16xf32>
      %exp3A = math.exp %mul3A_176 : vector<16xf32>
      %add3A_177 = arith.addf %scan3A_149, %exp3A : vector<16xf32>
      %add3A_178 = arith.addf %scan3A_157, %mul3A_176 : vector<16xf32>
      %get3A_179 = arith.constant 1 : i32
      %get3A_180 = arith.index_cast %get3A_179 : i32 to index
      %get3A_181 = arith.index_cast %scan3A_148 : i32 to index
      %get3A_182 = arith.constant 16 : index
      %get3A_183 = tpu.vector_load %arg5[%get3A_180, %get3A_181, %get3A_182] {strides = array<i32>} : memref<2x64x128xf32, #tpu.memory_space<vmem>>, vector<1x1x16xf32>,
      %get3A_184 = vector.shape_cast %get3A_183 : vector<1x1x16xf32> to vector<16xf32>
      %get3A_185 = arith.constant 1 : i32
      %get3A_186 = arith.index_cast %get3A_185 : i32 to index
      %get3A_187 = arith.index_cast %scan3A_148 : i32 to index
      %get3A_188 = arith.constant 16 : index
      %get3A_189 = tpu.vector_load %arg6[%get3A_186, %get3A_187, %get3A_188] {strides = array<i32>} : memref<2x64x128xf32, #tpu.memory_space<vmem>>, vector<1x1x16xf32>,
      %get3A_190 = vector.shape_cast %get3A_189 : vector<1x1x16xf32> to vector<16xf32>
      %mul3A_191 = arith.mulf %get3A_184, %get3A_190 : vector<16xf32>
      %exp3A_192 = math.exp %mul3A_191 : vector<16xf32>
      %add3A_193 = arith.addf %scan3A_150, %exp3A_192 : vector<16xf32>
      %add3A_194 = arith.addf %scan3A_158, %mul3A_191 : vector<16xf32>
      %get3A_195 = arith.constant 1 : i32
      %get3A_196 = arith.index_cast %get3A_195 : i32 to index
      %get3A_197 = arith.index_cast %scan3A_148 : i32 to index
      %get3A_198 = arith.constant 32 : index
      %get3A_199 = tpu.vector_load %arg5[%get3A_196, %get3A_197, %get3A_198] {strides = array<i32>} : memref<2x64x128xf32, #tpu.memory_space<vmem>>, vector<1x1x16xf32>,
      %get3A_200 = vector.shape_cast %get3A_199 : vector<1x1x16xf32> to vector<16xf32>
      %get3A_201 = arith.constant 1 : i32
      %get3A_202 = arith.index_cast %get3A_201 : i32 to index
      %get3A_203 = arith.index_cast %scan3A_148 : i32 to index
      %get3A_204 = arith.constant 32 : index
      %get3A_205 = tpu.vector_load %arg6[%get3A_202, %get3A_203, %get3A_204] {strides = array<i32>} : memref<2x64x128xf32, #tpu.memory_space<vmem>>, vector<1x1x16xf32>,
      %get3A_206 = vector.shape_cast %get3A_205 : vector<1x1x16xf32> to vector<16xf32>
      %mul3A_207 = arith.mulf %get3A_200, %get3A_206 : vector<16xf32>
      %exp3A_208 = math.exp %mul3A_207 : vector<16xf32>
      %add3A_209 = arith.addf %scan3A_151, %exp3A_208 : vector<16xf32>
      %add3A_210 = arith.addf %scan3A_159, %mul3A_207 : vector<16xf32>
      %get3A_211 = arith.constant 1 : i32
      %get3A_212 = arith.index_cast %get3A_211 : i32 to index
      %get3A_213 = arith.index_cast %scan3A_148 : i32 to index
      %get3A_214 = arith.constant 48 : index
      %get3A_215 = tpu.vector_load %arg5[%get3A_212, %get3A_213, %get3A_214] {strides = array<i32>} : memref<2x64x128xf32, #tpu.memory_space<vmem>>, vector<1x1x16xf32>,
      %get3A_216 = vector.shape_cast %get3A_215 : vector<1x1x16xf32> to vector<16xf32>
      %get3A_217 = arith.constant 1 : i32
      %get3A_218 = arith.index_cast %get3A_217 : i32 to index
      %get3A_219 = arith.index_cast %scan3A_148 : i32 to index
      %get3A_220 = arith.constant 48 : index
      %get3A_221 = tpu.vector_load %arg6[%get3A_218, %get3A_219, %get3A_220] {strides = array<i32>} : memref<2x64x128xf32, #tpu.memory_space<vmem>>, vector<1x1x16xf32>,
      %get3A_222 = vector.shape_cast %get3A_221 : vector<1x1x16xf32> to vector<16xf32>
      %mul3A_223 = arith.mulf %get3A_216, %get3A_222 : vector<16xf32>
      %exp3A_224 = math.exp %mul3A_223 : vector<16xf32>
      %add3A_225 = arith.addf %scan3A_152, %exp3A_224 : vector<16xf32>
      %add3A_226 = arith.addf %scan3A_160, %mul3A_223 : vector<16xf32>
      %get3A_227 = arith.constant 1 : i32
      %get3A_228 = arith.index_cast %get3A_227 : i32 to index
      %get3A_229 = arith.index_cast %scan3A_148 : i32 to index
      %get3A_230 = arith.constant 64 : index
      %get3A_231 = tpu.vector_load %arg5[%get3A_228, %get3A_229, %get3A_230] {strides = array<i32>} : memref<2x64x128xf32, #tpu.memory_space<vmem>>, vector<1x1x16xf32>,
      %get3A_232 = vector.shape_cast %get3A_231 : vector<1x1x16xf32> to vector<16xf32>
      %get3A_233 = arith.constant 1 : i32
      %get3A_234 = arith.index_cast %get3A_233 : i32 to index
      %get3A_235 = arith.index_cast %scan3A_148 : i32 to index
      %get3A_236 = arith.constant 64 : index
      %get3A_237 = tpu.vector_load %arg6[%get3A_234, %get3A_235, %get3A_236] {strides = array<i32>} : memref<2x64x128xf32, #tpu.memory_space<vmem>>, vector<1x1x16xf32>,
      %get3A_238 = vector.shape_cast %get3A_237 : vector<1x1x16xf32> to vector<16xf32>
      %mul3A_239 = arith.mulf %get3A_232, %get3A_238 : vector<16xf32>
      %exp3A_240 = math.exp %mul3A_239 : vector<16xf32>
      %add3A_241 = arith.addf %scan3A_153, %exp3A_240 : vector<16xf32>
      %add3A_242 = arith.addf %scan3A_161, %mul3A_239 : vector<16xf32>
      %get3A_243 = arith.constant 1 : i32
      %get3A_244 = arith.index_cast %get3A_243 : i32 to index
      %get3A_245 = arith.index_cast %scan3A_148 : i32 to index
      %get3A_246 = arith.constant 80 : index
      %get3A_247 = tpu.vector_load %arg5[%get3A_244, %get3A_245, %get3A_246] {strides = array<i32>} : memref<2x64x128xf32, #tpu.memory_space<vmem>>, vector<1x1x16xf32>,
      %get3A_248 = vector.shape_cast %get3A_247 : vector<1x1x16xf32> to vector<16xf32>
      %get3A_249 = arith.constant 1 : i32
      %get3A_250 = arith.index_cast %get3A_249 : i32 to index
      %get3A_251 = arith.index_cast %scan3A_148 : i32 to index
      %get3A_252 = arith.constant 80 : index
      %get3A_253 = tpu.vector_load %arg6[%get3A_250, %get3A_251, %get3A_252] {strides = array<i32>} : memref<2x64x128xf32, #tpu.memory_space<vmem>>, vector<1x1x16xf32>,
      %get3A_254 = vector.shape_cast %get3A_253 : vector<1x1x16xf32> to vector<16xf32>
      %mul3A_255 = arith.mulf %get3A_248, %get3A_254 : vector<16xf32>
      %exp3A_256 = math.exp %mul3A_255 : vector<16xf32>
      %add3A_257 = arith.addf %scan3A_154, %exp3A_256 : vector<16xf32>
      %add3A_258 = arith.addf %scan3A_162, %mul3A_255 : vector<16xf32>
      %get3A_259 = arith.constant 1 : i32
      %get3A_260 = arith.index_cast %get3A_259 : i32 to index
      %get3A_261 = arith.index_cast %scan3A_148 : i32 to index
      %get3A_262 = arith.constant 96 : index
      %get3A_263 = tpu.vector_load %arg5[%get3A_260, %get3A_261, %get3A_262] {strides = array<i32>} : memref<2x64x128xf32, #tpu.memory_space<vmem>>, vector<1x1x16xf32>,
      %get3A_264 = vector.shape_cast %get3A_263 : vector<1x1x16xf32> to vector<16xf32>
      %get3A_265 = arith.constant 1 : i32
      %get3A_266 = arith.index_cast %get3A_265 : i32 to index
      %get3A_267 = arith.index_cast %scan3A_148 : i32 to index
      %get3A_268 = arith.constant 96 : index
      %get3A_269 = tpu.vector_load %arg6[%get3A_266, %get3A_267, %get3A_268] {strides = array<i32>} : memref<2x64x128xf32, #tpu.memory_space<vmem>>, vector<1x1x16xf32>,
      %get3A_270 = vector.shape_cast %get3A_269 : vector<1x1x16xf32> to vector<16xf32>
      %mul3A_271 = arith.mulf %get3A_264, %get3A_270 : vector<16xf32>
      %exp3A_272 = math.exp %mul3A_271 : vector<16xf32>
      %add3A_273 = arith.addf %scan3A_155, %exp3A_272 : vector<16xf32>
      %add3A_274 = arith.addf %scan3A_163, %mul3A_271 : vector<16xf32>
      %get3A_275 = arith.constant 1 : i32
      %get3A_276 = arith.index_cast %get3A_275 : i32 to index
      %get3A_277 = arith.index_cast %scan3A_148 : i32 to index
      %get3A_278 = arith.constant 112 : index
      %get3A_279 = tpu.vector_load %arg5[%get3A_276, %get3A_277, %get3A_278] {strides = array<i32>} : memref<2x64x128xf32, #tpu.memory_space<vmem>>, vector<1x1x16xf32>,
      %get3A_280 = vector.shape_cast %get3A_279 : vector<1x1x16xf32> to vector<16xf32>
      %get3A_281 = arith.constant 1 : i32
      %get3A_282 = arith.index_cast %get3A_281 : i32 to index
      %get3A_283 = arith.index_cast %scan3A_148 : i32 to index
      %get3A_284 = arith.constant 112 : index
      %get3A_285 = tpu.vector_load %arg6[%get3A_282, %get3A_283, %get3A_284] {strides = array<i32>} : memref<2x64x128xf32, #tpu.memory_space<vmem>>, vector<1x1x16xf32>,
      %get3A_286 = vector.shape_cast %get3A_285 : vector<1x1x16xf32> to vector<16xf32>
      %mul3A_287 = arith.mulf %get3A_280, %get3A_286 : vector<16xf32>
      %exp3A_288 = math.exp %mul3A_287 : vector<16xf32>
      %add3A_289 = arith.addf %scan3A_156, %exp3A_288 : vector<16xf32>
      %add3A_290 = arith.addf %scan3A_164, %mul3A_287 : vector<16xf32>
      scf.yield %add3A_177, %add3A_193, %add3A_209, %add3A_225, %add3A_241, %add3A_257, %add3A_273, %add3A_289, %add3A_178, %add3A_194, %add3A_210, %add3A_226, %add3A_242, %add3A_258, %add3A_274, %add3A_290 : vector<16xf32>, vector<16xf32>, vector<16xf32>, vector<16xf32>, vector<16xf32>, vector<16xf32>, vector<16xf32>, vector<16xf32>, vector<16xf32>, vector<16xf32>, vector<16xf32>, vector<16xf32>, vector<16xf32>, vector<16xf32>, vector<16xf32>, vector<16xf32>
    }
    %scan3A_120 = arith.constant 64 : i32
    %add3A_121 = arith.addf %broadcast_in_dim3A_3, %scan3A_119#0 : vector<16xf32>
    %add3A_122 = arith.addf %broadcast_in_dim3A_3, %scan3A_119#8 : vector<16xf32>
    %add3A_123 = arith.addf %add3A_121, %scan3A_119#1 : vector<16xf32>
    %add3A_124 = arith.addf %add3A_122, %scan3A_119#9 : vector<16xf32>
    %add3A_125 = arith.addf %add3A_123, %scan3A_119#2 : vector<16xf32>
    %add3A_126 = arith.addf %add3A_124, %scan3A_119#10 : vector<16xf32>
    %add3A_127 = arith.addf %add3A_125, %scan3A_119#3 : vector<16xf32>
    %add3A_128 = arith.addf %add3A_126, %scan3A_119#11 : vector<16xf32>
    %add3A_129 = arith.addf %add3A_127, %scan3A_119#4 : vector<16xf32>
    %add3A_130 = arith.addf %add3A_128, %scan3A_119#12 : vector<16xf32>
    %add3A_131 = arith.addf %add3A_129, %scan3A_119#5 : vector<16xf32>
    %add3A_132 = arith.addf %add3A_130, %scan3A_119#13 : vector<16xf32>
    %add3A_133 = arith.addf %add3A_131, %scan3A_119#6 : vector<16xf32>
    %add3A_134 = arith.addf %add3A_132, %scan3A_119#14 : vector<16xf32>
    %add3A_135 = arith.addf %add3A_133, %scan3A_119#7 : vector<16xf32>
    %add3A_136 = arith.addf %add3A_134, %scan3A_119#15 : vector<16xf32>
    %swap3A = arith.constant 0 : i32
    %swap3A_137 = arith.index_cast %swap3A : i32 to index
    %swap3A_138 = arith.constant 0 : index
    %swap3A_139 = tpu.vector_load %arg7[%swap3A_137, %swap3A_138] {strides = array<i32>} : memref<2x16xf32, #tpu.memory_space<vmem>>, vector<1x16xf32>,
    %swap3A_140 = vector.shape_cast %swap3A_139 : vector<1x16xf32> to vector<16xf32>
    %swap3A_141 = vector.shape_cast %add3A_135 : vector<16xf32> to vector<1x16xf32>
    tpu.vector_store %arg7[%swap3A_137, %swap3A_138], %swap3A_141 {strides = array<i32>} : memref<2x16xf32, #tpu.memory_space<vmem>>, vector<1x16xf32>,
    %swap3A_142 = arith.constant 1 : i32
    %swap3A_143 = arith.index_cast %swap3A_142 : i32 to index
    %swap3A_144 = arith.constant 0 : index
    %swap3A_145 = tpu.vector_load %arg7[%swap3A_143, %swap3A_144] {strides = array<i32>} : memref<2x16xf32, #tpu.memory_space<vmem>>, vector<1x16xf32>,
    %swap3A_146 = vector.shape_cast %swap3A_145 : vector<1x16xf32> to vector<16xf32>
    %swap3A_147 = vector.shape_cast %add3A_136 : vector<16xf32> to vector<1x16xf32>
    tpu.vector_store %arg7[%swap3A_143, %swap3A_144], %swap3A_147 {strides = array<i32>} : memref<2x16xf32, #tpu.memory_space<vmem>>, vector<1x16xf32>,
    "tpu.region"() ({
      %run_scoped3A = tpu.sem_alloc : memref<!tpu.dma_semaphore, #tpu.memory_space<semaphore_mem>>
      %dma_start3A_148 = arith.constant 0 : i32
      %dma_start3A_149 = arith.constant 0 : i32
      %dma_start3A_150 = tpu.memref_slice %arg4[%add3A, %dma_start3A_148, %dma_start3A_149] : memref<32x2x16xf32, #tpu.memory_space<hbm>> -> memref<1x2x16xf32, #tpu.memory_space<hbm>>
      %dma_start3A_151 = tpu.memref_squeeze %dma_start3A_150 : memref<1x2x16xf32, #tpu.memory_space<hbm>> -> memref<2x16xf32, #tpu.memory_space<hbm>>
      %dma_start3A_152 = arith.constant 0 : i32
      %dma_start3A_153 = arith.constant 0 : i32
      %dma_start3A_154 = tpu.memref_slice %arg4[%add3A, %dma_start3A_152, %dma_start3A_153] : memref<32x2x16xf32, #tpu.memory_space<hbm>> -> memref<1x2x16xf32, #tpu.memory_space<hbm>>
      %dma_start3A_155 = tpu.memref_squeeze %dma_start3A_154 : memref<1x2x16xf32, #tpu.memory_space<hbm>> -> memref<2x16xf32, #tpu.memory_space<hbm>>
      tpu.enqueue_dma source(%arg7 : memref<2x16xf32, #tpu.memory_space<vmem>>) target(%dma_start3A_155 : memref<2x16xf32, #tpu.memory_space<hbm>>) target_semaphore(%run_scoped3A : memref<!tpu.dma_semaphore, #tpu.memory_space<semaphore_mem>>)
      %dma_wait3A_156 = arith.constant 0 : i32
      %dma_wait3A_157 = arith.constant 0 : i32
      %dma_wait3A_158 = tpu.memref_slice %arg4[%add3A, %dma_wait3A_156, %dma_wait3A_157] : memref<32x2x16xf32, #tpu.memory_space<hbm>> -> memref<1x2x16xf32, #tpu.memory_space<hbm>>
      %dma_wait3A_159 = tpu.memref_squeeze %dma_wait3A_158 : memref<1x2x16xf32, #tpu.memory_space<hbm>> -> memref<2x16xf32, #tpu.memory_space<hbm>>
      %dma_wait3A_160 = arith.constant 0 : i32
      %dma_wait3A_161 = arith.constant 0 : i32
      %dma_wait3A_162 = tpu.memref_slice %arg4[%add3A, %dma_wait3A_160, %dma_wait3A_161] : memref<32x2x16xf32, #tpu.memory_space<hbm>> -> memref<1x2x16xf32, #tpu.memory_space<hbm>>
      %dma_wait3A_163 = tpu.memref_squeeze %dma_wait3A_162 : memref<1x2x16xf32, #tpu.memory_space<hbm>> -> memref<2x16xf32, #tpu.memory_space<hbm>>
      tpu.wait_dma2 semaphore(%run_scoped3A : memref<!tpu.dma_semaphore, #tpu.memory_space<semaphore_mem>>) src(%arg7 : memref<2x16xf32, #tpu.memory_space<vmem>>) dst(%dma_wait3A_163 : memref<2x16xf32, #tpu.memory_space<hbm>>)
      tpu.yield
    }) : () -> ()
    return
  }
}

module attributes {stable_mosaic.version = 14 : i64} {
  func.func @_tc_kernel(%arg0: i32, %arg1: memref<4096x128xf32, #tpu.memory_space<vmem>>, %arg2: memref<4096x128xf32, #tpu.memory_space<vmem>>, %arg3: memref<2xf32, #tpu.memory_space<smem>>, %arg4: memref<2xf32, #tpu.memory_space<smem>>) attributes {dimension_semantics = [#tpu.dimension_semantics<arbitrary>], iteration_bounds = array<i64: 3>, scalar_prefetch = 0 : i64, scratch_operands = 1 : i64, tpu.core_type = #tpu.core_type<tc>, window_params = [{transform_indices = @transform_0, window_bounds = array<i64: 4096, 128>}, {transform_indices = @transform_1, window_bounds = array<i64: 4096, 128>}, {transform_indices = @transform_2, window_bounds = array<i64: 2>}]} {
    %eq3A = arith.constant 0 : i32
    %eq3A_0 = arith.cmpi eq, %arg0, %eq3A : i32
    %convert_element_type3A = arith.extui %eq3A_0 : i1 to i32
    %cond3A = arith.constant 0 : i32
    %cond3A_1 = arith.cmpi ne, %convert_element_type3A, %cond3A : i32
    scf.if %cond3A_1 {
      %swap3A_29 = arith.constant 0.000000e+00 : f32
      %swap3A_30 = arith.constant 0 : index
      %swap3A_31 = memref.load %arg4[%swap3A_30] : memref<2xf32, #tpu.memory_space<smem>>
      memref.store %swap3A_29, %arg4[%swap3A_30] : memref<2xf32, #tpu.memory_space<smem>>
      %swap3A_32 = arith.constant 0.000000e+00 : f32
      %swap3A_33 = arith.constant 1 : index
      %swap3A_34 = memref.load %arg4[%swap3A_33] : memref<2xf32, #tpu.memory_space<smem>>
      memref.store %swap3A_32, %arg4[%swap3A_33] : memref<2xf32, #tpu.memory_space<smem>>
    } else {
    }
    %get3A = arith.constant 0 : index
    %get3A_2 = arith.constant 0 : index
    %get3A_3 = vector.load %arg1[%get3A, %get3A_2] : memref<4096x128xf32, #tpu.memory_space<vmem>>, vector<4096x128xf32>
    %get3A_4 = arith.constant 0 : index
    %get3A_5 = arith.constant 0 : index
    %get3A_6 = vector.load %arg2[%get3A_4, %get3A_5] : memref<4096x128xf32, #tpu.memory_space<vmem>>, vector<4096x128xf32>
    %mul3A = arith.mulf %get3A_3, %get3A_6 : vector<4096x128xf32>
    %get3A_7 = arith.constant 0 : index
    %get3A_8 = memref.load %arg4[%get3A_7] : memref<2xf32, #tpu.memory_space<smem>>
    %exp3A = math.exp %mul3A : vector<4096x128xf32>
    %reduce_sum3A = vector.shape_cast %exp3A : vector<4096x128xf32> to vector<1x4096x128xf32>
    %reduce_sum3A_9 = arith.constant dense<0.000000e+00> : vector<1xf32>
    %reduce_sum3A_10 = vector.multi_reduction <add>, %reduce_sum3A, %reduce_sum3A_9 [1, 2] : vector<1x4096x128xf32> to vector<1xf32>
    %reduce_sum3A_11 = vector.shape_cast %reduce_sum3A_10 : vector<1xf32> to vector<1x1x1xf32>
    %reduce_sum3A_12 = vector.extract %reduce_sum3A_11[0, 0, 0] : f32 from vector<1x1x1xf32>
    %add3A = arith.addf %get3A_8, %reduce_sum3A_12 : f32
    %swap3A = arith.constant 0 : index
    %swap3A_13 = memref.load %arg4[%swap3A] : memref<2xf32, #tpu.memory_space<smem>>
    memref.store %add3A, %arg4[%swap3A] : memref<2xf32, #tpu.memory_space<smem>>
    %get3A_14 = arith.constant 1 : index
    %get3A_15 = memref.load %arg4[%get3A_14] : memref<2xf32, #tpu.memory_space<smem>>
    %reduce_sum3A_16 = vector.shape_cast %mul3A : vector<4096x128xf32> to vector<1x4096x128xf32>
    %reduce_sum3A_17 = arith.constant dense<0.000000e+00> : vector<1xf32>
    %reduce_sum3A_18 = vector.multi_reduction <add>, %reduce_sum3A_16, %reduce_sum3A_17 [1, 2] : vector<1x4096x128xf32> to vector<1xf32>
    %reduce_sum3A_19 = vector.shape_cast %reduce_sum3A_18 : vector<1xf32> to vector<1x1x1xf32>
    %reduce_sum3A_20 = vector.extract %reduce_sum3A_19[0, 0, 0] : f32 from vector<1x1x1xf32>
    %add3A_21 = arith.addf %get3A_15, %reduce_sum3A_20 : f32
    %swap3A_22 = arith.constant 1 : index
    %swap3A_23 = memref.load %arg4[%swap3A_22] : memref<2xf32, #tpu.memory_space<smem>>
    memref.store %add3A_21, %arg4[%swap3A_22] : memref<2xf32, #tpu.memory_space<smem>>
    %eq3A_24 = arith.constant 2 : i32
    %eq3A_25 = arith.cmpi eq, %arg0, %eq3A_24 : i32
    %convert_element_type3A_26 = arith.extui %eq3A_25 : i1 to i32
    %cond3A_27 = arith.constant 0 : i32
    %cond3A_28 = arith.cmpi ne, %convert_element_type3A_26, %cond3A_27 : i32
    scf.if %cond3A_28 {
      %get3A_29 = arith.constant 0 : index
      %get3A_30 = memref.load %arg4[%get3A_29] : memref<2xf32, #tpu.memory_space<smem>>
      %swap3A_31 = arith.constant 0 : index
      %swap3A_32 = memref.load %arg3[%swap3A_31] : memref<2xf32, #tpu.memory_space<smem>>
      memref.store %get3A_30, %arg3[%swap3A_31] : memref<2xf32, #tpu.memory_space<smem>>
      %get3A_33 = arith.constant 1 : index
      %get3A_34 = memref.load %arg4[%get3A_33] : memref<2xf32, #tpu.memory_space<smem>>
      %swap3A_35 = arith.constant 1 : index
      %swap3A_36 = memref.load %arg3[%swap3A_35] : memref<2xf32, #tpu.memory_space<smem>>
      memref.store %get3A_34, %arg3[%swap3A_35] : memref<2xf32, #tpu.memory_space<smem>>
    } else {
    }
    return
  }
  func.func @transform_0(%arg0: i32) -> (i32, i32) {
    %add3A = arith.constant 1 : i32
    %add3A_0 = arith.addi %arg0, %add3A : i32
    %c0_i32 = arith.constant 0 : i32
    %c0_i32_1 = arith.constant 0 : i32
    return %add3A_0, %c0_i32 : i32, i32
  }
  func.func @transform_1(%arg0: i32) -> (i32, i32) {
    %add3A = arith.constant 1 : i32
    %add3A_0 = arith.addi %arg0, %add3A : i32
    %c0_i32 = arith.constant 0 : i32
    %c0_i32_1 = arith.constant 0 : i32
    return %add3A_0, %c0_i32 : i32, i32
  }
  func.func @transform_2(%arg0: i32) -> i32 {
    %c0_i32 = arith.constant 0 : i32
    %c0_i32_0 = arith.constant 0 : i32
    return %c0_i32 : i32
  }
}

</mosaic_0001>

<sc_bundles>
// kernel: kernel.4.cloned.1.call-start
scs
__scs_entry_jumppad:
0x0: {  	(pc) =	sbr.rel $0x88, $3  }
0x1: {  	(tag) =	ssettag $0x0;
	lr =	simm.s32 $0x1  }
0x2: {  	[smem:$0x3F9F] =	sst lr;
	_ =	strace $0xD0000000  }
0x3: {  	_ = 	snop  }
0x4: {  	_ = 	snop  }
0x5: {  	_ = 	snop  }
0x6: {  	_ = 	snop  }
0x7: {  	_ = 	snop  }
__scs_overlays_trampoline_lowered:
0x8: {  	[smem:$0x3FAE] =	sst s0  }
0x9: {  	[smem:$0x3FAF] =	sst s1  }
0xa: {  	[smem:$0x3FB0] =	sst s2  }
0xb: {  	[smem:$0x3FB1] =	sst s3  }
0xc: {  	[smem:$0x3FB2] =	sst s4  }
0xd: {  	[smem:$0x3FB3] =	sst s5  }
0xe: {  	[smem:$0x3FB4] =	sst s6  }
0xf: {  	[smem:$0x3FB5] =	sst s7  }
0x10: {  	[smem:$0x3FB6] =	sst s8  }
0x11: {  	[smem:$0x3FB7] =	sst s9;
	s0 =	simm.s32 @!p0 $0x0  }
0x12: {  	s1 =	sld [smem:$0x3F9D];
	s0 =	simm.s32 @p0 $0x1  }
0x13: {  	[smem:$0x3FB8] =	sst s0;
	s0 =	simm.s32 @!p1 $0x0  }
0x14: {  	s2 =	sld [smem:$0x3F9C];
	s0 =	simm.s32 @p1 $0x1  }
0x15: {  	[smem:$0x3FB9] =	sst s0;
	s0 =	simm.s32 @!p2 $0x0  }
0x16: {  	s3 =	sld [smem:$0x3FDB];
	s0 =	simm.s32 @p2 $0x1  }
0x17: {  	s4 =	simm.s32 $0x1BF5;
	[smem:$0x3FBB] =	sst s0  }
0x18: {  	s0 =	sld [smem:$0x3F9E];
	_ =	swait.ge [sflag:s4], $0x0  }
0x19: {  	s7 =	sld [smem:$0x3F9F]  }
0x1a: {  	s8 =	sadd.s32 $0xFFFFE003, lr  }
0x1b: {  	s9 =	sadd.s32 $0xFFFFFEF7, lr;
	s5 =	simm.s32 $0xFFFFFFFF;
	p2 =	slt.u32 s8, $0xFFFFF086  }
0x1c: {  	p1 =	slt.u32 s9, $0xF7A;
	s5 =	simm.s32 @!p2 $0x0  }
0x1d: {  	s5 =	simm.s32 @p1 $0x1;
	p0 =	seq.s32 s7, s2  }
0x1e: {  	s7 =	smul.u32 @!p0 $0xF7A, s2;
	p2 =	seq.s32 @!p0 s5, $0x0  }
0x1f: {  	s9 =	smul.u32 $0xF7A, s1;
	s8 =	simm.s32 @!p0 $0x1BF5;
	p2 =	por !p2, p0  }
0x20: {  	[sflag:s8] =	ssyncset.s32 @!p0 $0xFFFFF086;
	s6 =	sadd.s32 @!p0 s3, s7;
	s7 =	simm.s32 @!p0 $0x108  }
0x21: {  	s3 =	sadd.s32 s3, s9;
	s6 =	sadd.s32 @!p0 $0x88, s6;
	s7 =	simm.s32 @p2 $0x1082  }
0x22: {  	[simem:s7], [sflag:s8] =	dma.local @!p0 [hbm:s6], $0xF7A  }
0x23: {  	s9 =	sor.u32 $0xD0000000, s2;
	s6 =	simm.s32 $0x108;
	_ =	swait.ge @!p0 [sflag:s8], $0x0  }
0x24: {  	s3 =	sadd.s32 $0x88, s3;
	s6 =	simm.s32 @!p1 $0x1082;
	[sflag:s4] =	ssyncset.s32 $0xFFFFF086  }
0x25: {  	[simem:s6], [sflag:s4] =	dma.local [hbm:s3], $0xF7A  }
0x26: {  	[smem:$0x3F9F] =	sst s1;
	(tag) =	ssettag s2;
	_ =	strace s9  }
0x27: {  	s1 =	sld [smem:$0x3FAF]  }
0x28: {  	s2 =	sld [smem:$0x3FB0]  }
0x29: {  	s4 =	sld [smem:$0x3FB2]  }
0x2a: {  	p0 =	seq.s32 s5, $0x0;
	s5 =	sld [smem:$0x3FB3]  }
0x2b: {  	s6 =	sld [smem:$0x3FB4]  }
0x2c: {  	s7 =	sld [smem:$0x3FB5]  }
0x2d: {  	s3 =	simm.s32 $0x108;
	s8 =	sld [smem:$0x3FB6]  }
0x2e: {  	s3 =	simm.s32 @!p0 $0x1082;
	s9 =	sld [smem:$0x3FB7]  }
0x2f: {  	lr =	sadd.s32 s0, s3;
	s0 =	sld [smem:$0x3FAE]  }
0x30: {  	s3 =	sld [smem:$0x3FB1]  }
0x31: {  	[smem:$0x3FBA] =	sst s10  }
0x32: {  	s10 =	sld [smem:$0x3FB8];
	_ =	sdelay $0x3  }
0x33: {  	p0 =	seq.s32 s10, $0x1;
	s10 =	sld [smem:$0x3FBA];
	_ =	sdelay $0x3  }
0x34: {  	[smem:$0x3FBA] =	sst s10  }
0x35: {  	s10 =	sld [smem:$0x3FB9];
	_ =	sdelay $0x3  }
0x36: {  	p1 =	seq.s32 s10, $0x1;
	s10 =	sld [smem:$0x3FBA];
	_ =	sdelay $0x3  }
0x37: {  	[smem:$0x3FBA] =	sst s10  }
0x38: {  	s10 =	sld [smem:$0x3FBB]  }
0x39: {  	_ = 	snop;
	(pc) =	sbr.ind lr, $3  }
0x3a: {  	_ = 	snop  }
0x3b: {  	_ = 	snop  }
0x3c: {  	p2 =	seq.s32 s10, $0x1;
	s10 =	sld [smem:$0x3FBA]  }
0x3d: {  	_ =	shalt  }
0x3e: {  	_ =	shalt  }
0x3f: {  	_ =	shalt  }
0x40: {  	_ =	shalt  }
0x41: {  	_ =	shalt  }
0x42: {  	_ =	shalt  }
0x43: {  	_ =	shalt  }
0x44: {  	_ =	shalt  }
0x45: {  	_ =	shalt  }
0x46: {  	_ =	shalt  }
0x47: {  	_ =	shalt  }
0x48: {  	_ =	shalt  }
0x49: {  	_ =	shalt  }
0x4a: {  	_ =	shalt  }
0x4b: {  	_ =	shalt  }
0x4c: {  	_ =	shalt  }
0x4d: {  	_ =	shalt  }
0x4e: {  	_ =	shalt  }
0x4f: {  	_ =	shalt  }
0x50: {  	_ =	shalt  }
0x51: {  	_ =	shalt  }
0x52: {  	_ =	shalt  }
0x53: {  	_ =	shalt  }
0x54: {  	_ =	shalt  }
0x55: {  	_ =	shalt  }
0x56: {  	_ =	shalt  }
0x57: {  	_ =	shalt  }
0x58: {  	_ =	shalt  }
0x59: {  	_ =	shalt  }
0x5a: {  	_ =	shalt  }
0x5b: {  	_ =	shalt  }
0x5c: {  	_ =	shalt  }
0x5d: {  	_ =	shalt  }
0x5e: {  	_ =	shalt  }
0x5f: {  	_ =	shalt  }
0x60: {  	_ =	shalt  }
0x61: {  	_ =	shalt  }
0x62: {  	_ =	shalt  }
0x63: {  	_ =	shalt  }
0x64: {  	_ =	shalt  }
0x65: {  	_ =	shalt  }
0x66: {  	_ =	shalt  }
0x67: {  	_ =	shalt  }
0x68: {  	_ =	shalt  }
0x69: {  	_ =	shalt  }
0x6a: {  	_ =	shalt  }
0x6b: {  	_ =	shalt  }
0x6c: {  	_ =	shalt  }
0x6d: {  	_ =	shalt  }
0x6e: {  	_ =	shalt  }
0x6f: {  	_ =	shalt  }
0x70: {  	_ =	shalt  }
0x71: {  	_ =	shalt  }
0x72: {  	_ =	shalt  }
0x73: {  	_ =	shalt  }
0x74: {  	_ =	shalt  }
0x75: {  	_ =	shalt  }
0x76: {  	_ =	shalt  }
0x77: {  	_ =	shalt  }
0x78: {  	_ =	shalt  }
0x79: {  	_ =	shalt  }
0x7a: {  	_ =	shalt  }
0x7b: {  	_ =	shalt  }
0x7c: {  	_ =	shalt  }
0x7d: {  	_ =	shalt  }
0x7e: {  	_ =	shalt  }
0x7f: {  	_ =	shalt  }
0x80: {  	_ =	shalt  }
0x81: {  	_ =	shalt  }
0x82: {  	_ =	shalt  }
0x83: {  	_ =	shalt  }
0x84: {  	_ =	shalt  }
0x85: {  	_ =	shalt  }
0x86: {  	_ =	shalt  }
0x87: {  	_ =	shalt  }
.Lfunc_end0:
.L_simem_size_0:
called_computation_lowered:
.L_overlay_start_0:
0x88: {  	s2 =	sld [smem:$0x3FD9]  }
0x89: {  	s3 =	sld [smem:$0x3FFE];
	_ =	sdelay $0x1  }
0x8a: {  	s1 =	srdreg.scid  }
0x8b: {  	s0 =	sand.u32 $0x1, s1  }
0x8c: {  	s16 =	sshll.u32 s0, $0xA;
	s2 =	sadd.s32 s3, s2  }
0x8d: {  	s2 =	sadd.s32 s2, s16  }
0x8e: {  	[smem:$0x3FC6] =	sst s2  }
0x8f: {  	_ = 	snop  }
0x90: {  	(tm) =	ssettm $0x1  }
0x91: {  	s17 =	sld [smem:$0x3FFB];
	_ =	sdelay $0x3  }
0x92: {  	_ =	strace s17  }
0x93: {  	s2 =	sld [smem:$0x3FFC];
	_ =	sdelay $0x3  }
0x94: {  	_ =	strace s2  }
0x95: {  	s2 =	sld [smem:$0x3FFD];
	_ =	sdelay $0x3  }
0x96: {  	_ =	strace s2  }
0x97: {  	_ =	strace $0x8FFFFFFF  }
0x98: {  	s18 =	sld [smem:$0x3FDB];
	_ =	sdelay $0x1  }
0x99: {  	s19 =	simm.s32 $_scs_section_size  }
0x9a: {  	s4 =	simm.s32 $_size__tile_overlayer_lowered;
	s5 =	simm.s32 $_tile_overlayer_lowered  }
0x9b: {  	s22 =	simm.s32 $0x1BFF;
	s21 =	sshll.u32 s5, $0x1;
	s2 =	sadd.s32 s19, s18  }
0x9c: {  	s6 =	simm.s32 $0x0;
	s20 =	sshll.u32 s4, $0x1;
	s4 =	sadd.s32 s21, s2  }
0x9d: {  	[timem:s6], [sflag:s22] =	dma.local [hbm:s4], s20  }
0x9e: {  	_ =	swait.ge [sflag:s22], s20  }
0x9f: {  	s3 =	ssub.s32 $0x0, s20;
	[sflag:s22] =	ssyncset.done $0x0  }
0xa0: {  	[sflag:s22] =	ssyncadd.s32 s3;
	_ =	sdelay $0x1  }
0xa1: {  	s23 =	simm.s32 $0x1B8B  }
0xa2: {  	_ =	swait.ge [sflag:s23], $0x1  }
0xa3: {  	[sflag:s23] =	ssyncset.done $0x0  }
0xa4: {  	s25 =	simm.s32 $0x1B8E;
	s24 =	sld [smem:$0x3FFE];
	[sflag:s23] =	ssyncadd.s32 $0xFFFFFFFF  }
0xa5: {  	s26 =	simm.s32 $execute0_lowered;
	[smem:$0x3FD2] =	sst s25  }
0xa6: {  	s4 =	sshll.u32 s26, $0x1;
	_ =	strace $0x80000046;
	[dreg:$0x1] =	wrdreg $0xFFFFFFFF  }
0xa7: {  	s28 =	simm.s32 $_size_execute0_lowered;
	s2 =	sadd.s32 s2, s4;
	[dreg:$0x0] =	wrdreg $0x0  }
0xa8: {  	s4 =	sshll.u32 s28, $0x1;
	[dreg:$0x2] =	wrdreg s2  }
0xa9: {  	[dreg:$0x3] =	wrdreg s4  }
0xaa: {  	[dreg:$0x4] =	wrdreg $0xC0  }
0xab: {  	_ =	task [dreg:s6], $0x5FFFF  }
0xac: {  	[dreg:$0x1] =	wrdreg $0xFFFFFFFF  }
0xad: {  	[dreg:$0x0] =	wrdreg $0x60  }
0xae: {  	[dreg:$0x2] =	wrdreg s24  }
0xaf: {  	[dreg:$0x3] =	wrdreg $0x9  }
0xb0: {  	_ =	task.clear_ibuf [dreg:s6], $0x4FFFF;
	_ =	strace $0x90000046  }
0xb1: {  	s29 =	simm.s32 $0x9;
	_ =	strace $0x80000048  }
0xb2: {  	_ =	swait.ge [sflag:s29], $0x1  }
0xb3: {  	[sflag:s29] =	ssyncadd.s32 $0xFFFFFFFF  }
0xb4: {  	_ =	strace $0x90000048  }
0xb5: {  	_ =	sfence  }
0xb6: {  	s30 =	sld [smem:$0x0];
	_ =	sdelay $0x2  }
0xb7: {  	s31 =	sshll.u32 s1, $0xD;
	s1 =	sshrl.u32 s1, $0x2  }
0xb8: {  	s3 =	sand.u32 $0x4000, s31;
	s1 =	sadd.s32 s1, s30  }
0xb9: {  	s0 =	sor.u32 s3, s0;
	s1 =	sshll.u32 s1, $0x11  }
0xba: {  	s0 =	sor.u32 s1, s0  }
0xbb: {  	s0 =	sadd.s32 $0x8F2B, s0  }
0xbc: {  	[sflag:s0] =	ssyncadd.remote.s32 $0x1  }
0xbd: {  	_ =	sfence.sel $0xFFFF  }
0xbe: {  	[dreg:$0x0] =	wrdreg $0xFFFFFFFF;
	(pc) =	sbr.abs _section_cstart, $3  }
0xbf: {  	[dreg:$0x1] =	wrdreg $0xFFFFFFFF  }
0xc0: {  	_ =	task.clear_ibuf [dreg:s6], $0x2FFFF;
	_ =	strace $0x9FFFFFFF  }
0xc1: {  	(tm) =	ssettm $0x7FFFFFFF  }
tec
execute0_lowered:
.L_overlay_start_1:
0x0: {  	(tag) =	ssettag $0x1  }
0x1: {  	s3 =	rddreg [dreg:$0x0]  }
0x2: {  	s0 =	rddreg [dreg:$0x1]  }
0x3: {  	s2 =	simm.s32 $0x0;
	s4 =	srdreg.scid;
	s1 =	stileid.u32  }
0x4: {  	s11 =	simm.s32 $0x6000;
	s12 =	simm.s32 $0x1;
	s13 =	simm.s32 $0x2  }
0x5: {  	s14 =	simm.s32 $0x3;
	s15 =	simm.s32 $0x4;
	s16 =	simm.s32 $0x8000  }
0x6: {  	s17 =	simm.s32 $0x5;
	s18 =	simm.s32 $0x0;
	[smem:$0x7FF] =	sst s2  }
0x7: {  	s4 =	sand.u32 $0x1, s4;
	s5 =	sshll.u32 s1, $0x1;
	s6 =	sadd.s32 $0x800, s3  }
0x8: {  	s7 =	sadd.s32 $0x10800, s3;
	s5 =	sor.u32 s4, s5;
	s4 =	ssub.s32 $0x2, s4  }
0x9: {  	_ =	strace $0x80000047;
	s8 =	sshll.u32 s5, $0x5;
	s31 =	sshrl.u32 s4, $0x1  }
0xa: {  	s5 =	sshll.u32 s5, $0xB;
	s8 =	sadd.s32 s8, s3;
	s9 =	ssub.s32 s4, s31  }
0xb: {  	s3 =	sadd.s32 s6, s5;
	s10 =	sor.u32 $0x400, s5;
	s4 =	sadd.s32 s7, s5  }
0xc: {  	s5 =	sadd.s32 s6, s10;
	s6 =	sadd.s32 s7, s10;
	s7 =	sadd.s32 $0x20800, s8  }
0xd: {  	s8 =	smax.u32 s9, $0x1;
	s9 =	simm.s32 $0x4000;
	s10 =	simm.s32 $0x2000  }
.LBB2_1:
0xe: {  	[tilespmem:s2], [sflag:$0x1] =	stream.linear.gather [hbm4b:s3+s2], $0x2000, $0x38;
	[tilespmem:$0x8100] =	vst v63  }
0xf: {  	_ = 	snop  }
0x10: {  	[tilespmem:s9], [sflag:$0x2] =	stream.linear.gather [hbm4b:s4+s2], $0x2000, $0x38;
	[tilespmem:$0x8100] =	vst v63  }
0x11: {  	_ = 	snop  }
0x12: {  	[tilespmem:s10], [sflag:$0x3] =	stream.linear.gather [hbm4b:s5+s2], $0x2000, $0x38;
	[tilespmem:$0x8100] =	vst v63  }
0x13: {  	_ = 	snop  }
0x14: {  	[tilespmem:s11], [sflag:$0x4] =	stream.linear.gather [hbm4b:s6+s2], $0x2000, $0x38;
	[tilespmem:$0x8100] =	vst v63  }
0x15: {  	_ =	swait.ge [sflag:s12], $0x2000  }
0x16: {  	[sflag:s12] =	ssyncset.done $0x0  }
0x17: {  	[sflag:s12] =	ssyncadd.s32 $0xFFFFE000  }
0x18: {  	_ =	swait.ge [sflag:s13], $0x2000  }
0x19: {  	[sflag:s13] =	ssyncset.done $0x0  }
0x1a: {  	s19 =	simm.s32 $0x0;
	[sflag:s13] =	ssyncadd.s32 $0xFFFFE000  }
0x1b: {  	v0 =	vld [tilespmem:s19+$0x70]  }
0x1c: {  	v1 =	vld [tilespmem:s19+$0x4070]  }
0x1d: {  	v2 =	vld [tilespmem:s19+$0x0]  }
0x1e: {  	v3 =	vld [tilespmem:s19+$0x4000]  }
0x1f: {  	v4 =	vld [tilespmem:s19+$0x10]  }
0x20: {  	v5 =	vld [tilespmem:s19+$0x4010]  }
0x21: {  	v6 =	vld [tilespmem:s19+$0x20]  }
0x22: {  	v7 =	vld [tilespmem:s19+$0x4020]  }
0x23: {  	v8 =	vld [tilespmem:s19+$0x30]  }
0x24: {  	v9 =	vld [tilespmem:s19+$0x40]  }
0x25: {  	v10 =	vld [tilespmem:s19+$0x4040]  }
0x26: {  	s20 =	simm.s32 $0x80;
	v11 =	vld [tilespmem:s19+$0x4050]  }
0x27: {  	v20 =	vld [tilespmem:s20+$0x20]  }
0x28: {  	v21 =	vld [tilespmem:s20+$0x4020];
	v1 =	vmul.f32 v1, v0  }
0x29: {  	v14 =	vld [tilespmem:s20+$0x70];
	v2 =	vmul.f32 v3, v2  }
0x2a: {  	v0 =	vld [tilespmem:s19+$0x4030];
	v4 =	vmul.f32 v5, v4;
	v3 =	vmul.f32 $1.442695020e+00, v1  }
0x2b: {  	v5 =	vld [tilespmem:s19+$0x50];
	v6 =	vmul.f32 v7, v6;
	v9 =	vmul.f32 v10, v9  }
0x2c: {  	v18 =	vld [tilespmem:s20+$0x4010];
	(erf) = vpow2.f32 v3;
	v3 =	vmul.f32 $1.442695020e+00, v2  }
0x2d: {  	v7 =	vld [tilespmem:s19+$0x60];
	v21 =	vmul.f32 v21, v20;
	v12 =	vmul.f32 $1.442695020e+00, v4  }
0x2e: {  	v13 =	vmul.f32 $1.442695020e+00, v6;
	(erf) = vpow2.f32 v3;
	v3 =	vld [tilespmem:s19+$0x4060]  }
0x2f: {  	v8 =	vmul.f32 v0, v8;
	v0 =	vimm.f32 $0.0e+00;
	(erf) = vpow2.f32 v12;
	v12 =	vld [tilespmem:s20+$0x4070]  }
0x30: {  	v10 =	vld [tilespmem:s20+$0x0];
	v23 =	vmul.f32 $1.442695020e+00, v21;
	v5 =	vmul.f32 v11, v5;
	v15 =	vadd.f32 v1, v0  }
0x31: {  	v16 =	vadd.f32 v2, v0;
	v1 =	vmul.f32 $1.442695020e+00, v8;
	(erf) = vpow2.f32 v13;
	v13 =	vld [tilespmem:s20+$0x4000]  }
0x32: {  	v11 =	vld [tilespmem:s20+$0x10];
	v2 =	vmul.f32 $1.442695020e+00, v9;
	v17 =	vadd.f32 v4, v0;
	v4 =	vmul.f32 $1.442695020e+00, v5  }
0x33: {  	v19 =	vadd.f32 v6, v0;
	(erf) = vpow2.f32 v1;
	v6 =	vmul.f32 v3, v7  }
0x34: {  	(erf) = vpow2.f32 v2;
	v7 =	vmul.f32 v12, v14  }
0x35: {  	v25 =	vadd.f32 v8, v0;
	(erf) = vpow2.f32 v4;
	v12 =	vld [tilespmem:s20+$0x30];
	v8 =	vmul.f32 $1.442695020e+00, v6  }
0x36: {  	v2 =	vadd.f32 v9, v0;
	v14 =	vld [tilespmem:s20+$0x4030];
	v9 =	vmul.f32 v13, v10;
	v10 =	vmul.f32 $1.442695020e+00, v7  }
0x37: {  	v11 =	vmul.f32 v18, v11;
	v3 =	vadd.f32 v5, v0;
	v1 =	vpop (erf);
	(erf) = vpow2.f32 v8  }
0x38: {  	v4 =	vadd.f32 v6, v0;
	v6 =	vadd.f32 v7, v15;
	v15 =	vld [tilespmem:s20+$0x40];
	v5 =	vpop (erf);
	(erf) = vpow2.f32 v10  }
0x39: {  	v1 =	vadd.f32 v1, v0;
	v8 =	vadd.f32 v9, v16;
	v13 =	vmul.f32 $1.442695020e+00, v9;
	v16 =	vld [tilespmem:s20+$0x4040];
	v7 =	vpop (erf)  }
0x3a: {  	v20 =	vld [tilespmem:s20+$0x4050];
	v24 =	vmul.f32 $1.442695020e+00, v11;
	v5 =	vadd.f32 v5, v0;
	v7 =	vadd.f32 v7, v0  }
0x3b: {  	v18 =	vld [tilespmem:s20+$0x50];
	(erf) = vpow2.f32 v13;
	v14 =	vmul.f32 v14, v12;
	v12 =	vadd.f32 v21, v19;
	v10 =	vpop (erf)  }
0x3c: {  	v22 =	vld [tilespmem:s20+$0x4060];
	(erf) = vpow2.f32 v24;
	v9 =	vadd.f32 v10, v0;
	v10 =	vadd.f32 v11, v17;
	v11 =	vpop (erf)  }
0x3d: {  	s19 =	simm.s32 $0x100;
	v19 =	vld [tilespmem:s20+$0x60];
	v24 =	vmul.f32 $1.442695020e+00, v14;
	v14 =	vadd.f32 v14, v25;
	v11 =	vadd.f32 v11, v0;
	v13 =	vpop (erf)  }
0x3e: {  	v21 =	vld [tilespmem:s19+$0x70];
	s20 =	simm.s32 $0x600;
	v16 =	vmul.f32 v16, v15;
	v15 =	vimm.f32 $0.0e+00;
	v13 =	vadd.f32 v13, v0;
	v17 =	vpop (erf)  }
.LBB2_2:
0x3f: {  	p0 =	sne.s32 s20, $0x7E00;
	v25 =	vld [tilespmem:s19+$0x4070];
	(erf) = vpow2.f32 v23;
	v0 =	vadd.f32 v17, v0  }
0x40: {  	v17 =	vld [tilespmem:s19+$0x0];
	v23 =	vmul.f32 $1.442695020e+00, v16;
	v2 =	vadd.f32 v16, v2;
	v16 =	vmul.f32 v20, v18;
	v18 =	vpop (erf)  }
0x41: {  	v20 =	vld [tilespmem:s19+$0x4000];
	(erf) = vpow2.f32 v24;
	v24 =	vpop (erf);
	v15 =	vadd.f32 v18, v15  }
0x42: {  	v18 =	vld [tilespmem:s19+$0x10];
	v26 =	vmul.f32 $1.442695020e+00, v16;
	v27 =	vmul.f32 v22, v19;
	v1 =	vadd.f32 v24, v1  }
0x43: {  	v3 =	vadd.f32 v16, v3;
	v22 =	vld [tilespmem:s19+$0x4010];
	(erf) = vpow2.f32 v23  }
0x44: {  	v16 =	vld [tilespmem:s19+$0x20];
	v25 =	vmul.f32 v25, v21;
	v23 =	vmul.f32 $1.442695020e+00, v27;
	v4 =	vadd.f32 v27, v4;
	v19 =	vpop (erf)  }
0x45: {  	v24 =	vld [tilespmem:s19+$0x4020];
	v5 =	vadd.f32 v19, v5;
	(erf) = vpow2.f32 v26  }
0x46: {  	v17 =	vmul.f32 v20, v17;
	v19 =	vld [tilespmem:s19+$0x30];
	v27 =	vmul.f32 $1.442695020e+00, v25;
	v6 =	vadd.f32 v25, v6;
	v21 =	vpop (erf)  }
0x47: {  	v25 =	vld [tilespmem:s19+$0x4030];
	v7 =	vadd.f32 v21, v7;
	(erf) = vpow2.f32 v23  }
0x48: {  	v8 =	vadd.f32 v17, v8;
	v18 =	vmul.f32 v22, v18;
	v26 =	vld [tilespmem:s19+$0x40];
	(erf) = vpow2.f32 v27;
	v20 =	vpop (erf)  }
0x49: {  	v28 =	vmul.f32 $1.442695020e+00, v17;
	v27 =	vld [tilespmem:s19+$0x4040];
	v9 =	vadd.f32 v20, v9  }
.Ltmp0:
0x4a: {  	v21 =	vmul.f32 $1.442695020e+00, v18;
	v10 =	vadd.f32 v18, v10;
	v16 =	vmul.f32 v24, v16;
	v18 =	vld [tilespmem:s19+$0x50];
	v22 =	vpop (erf);
	(pc) =	sbr.rel @p0 .LBB2_2-.Ltmp0, $4  }
0x4b: {  	v20 =	vld [tilespmem:s19+$0x4050];
	(erf) = vpow2.f32 v28;
	v11 =	vadd.f32 v22, v11  }
0x4c: {  	v23 =	vmul.f32 $1.442695020e+00, v16;
	v12 =	vadd.f32 v16, v12;
	v16 =	vmul.f32 v25, v19;
	v19 =	vld [tilespmem:s19+$0x60];
	v17 =	vpop (erf)  }
0x4d: {  	v22 =	vld [tilespmem:s19+$0x4060];
	s19 =	sshra.s32 s20, $0x2;
	(erf) = vpow2.f32 v21;
	v13 =	vadd.f32 v17, v13  }
0x4e: {  	s20 =	sadd.s32 $0x200, s20;
	v21 =	vld [tilespmem:s19+$0x70];
	v24 =	vmul.f32 $1.442695020e+00, v16;
	v14 =	vadd.f32 v16, v14;
	v16 =	vmul.f32 v27, v26;
	v17 =	vpop (erf)  }
0x4f: {  	v25 =	vld [tilespmem:s19+$0x4070]  }
0x50: {  	v26 =	vld [tilespmem:s19+$0x0]  }
0x51: {  	v27 =	vld [tilespmem:s19+$0x4000]  }
0x52: {  	v28 =	vld [tilespmem:s19+$0x10]  }
0x53: {  	v29 =	vld [tilespmem:s19+$0x4010]  }
0x54: {  	v30 =	vld [tilespmem:s19+$0x20]  }
0x55: {  	(erf) = vpow2.f32 v23;
	v18 =	vmul.f32 v20, v18;
	v20 =	vld [tilespmem:s19+$0x4020]  }
0x56: {  	v23 =	vmul.f32 $1.442695020e+00, v16;
	(erf) = vpow2.f32 v24;
	v24 =	vld [tilespmem:s19+$0x30]  }
0x57: {  	v31 =	vmul.f32 $1.442695020e+00, v18;
	v19 =	vmul.f32 v22, v19;
	v22 =	vld [tilespmem:s19+$0x4030]  }
0x58: {  	v47 =	vld [tilespmem:s19+$0x4040];
	(erf) = vpow2.f32 v23;
	v21 =	vmul.f32 v25, v21  }
0x59: {  	v23 =	vld [tilespmem:s19+$0x40];
	v25 =	vmul.f32 $1.442695020e+00, v19;
	(erf) = vpow2.f32 v31  }
0x5a: {  	v32 =	vld [tilespmem:s19+$0x50];
	v26 =	vmul.f32 v27, v26;
	v20 =	vmul.f32 v20, v30  }
0x5b: {  	v48 =	vld [tilespmem:s19+$0x4050];
	v27 =	vmul.f32 $1.442695020e+00, v21;
	(erf) = vpow2.f32 v25  }
0x5c: {  	v49 =	vld [tilespmem:s19+$0x60];
	v25 =	vmul.f32 v29, v28;
	v22 =	vmul.f32 v22, v24  }
0x5d: {  	v50 =	vld [tilespmem:s19+$0x4060];
	(erf) = vpow2.f32 v27;
	v27 =	vmul.f32 $1.442695020e+00, v26  }
0x5e: {  	v23 =	vmul.f32 v47, v23;
	v33 =	vmul.f32 $1.442695020e+00, v25  }
0x5f: {  	v24 =	vpop (erf);
	(erf) = vpow2.f32 v27;
	v27 =	vmul.f32 $1.442695020e+00, v20  }
0x60: {  	v51 =	vpop (erf);
	v34 =	vmul.f32 $1.442695020e+00, v22;
	(erf) = vpow2.f32 v33  }
0x61: {  	v52 =	vpop (erf);
	(erf) = vpow2.f32 v27;
	v27 =	vmul.f32 v48, v32  }
0x62: {  	v29 =	vmul.f32 v50, v49;
	v54 =	vmul.f32 $1.442695020e+00, v23;
	v53 =	vpop (erf)  }
0x63: {  	v55 =	vpop (erf);
	(erf) = vpow2.f32 v34;
	v56 =	vmul.f32 $1.442695020e+00, v27  }
0x64: {  	v57 =	vmul.f32 $1.442695020e+00, v29;
	v35 =	vpop (erf);
	(erf) = vpow2.f32 v54  }
0x65: {  	v36 =	vpop (erf);
	(erf) = vpow2.f32 v56  }
0x66: {  	v58 =	vpop (erf);
	(erf) = vpow2.f32 v57  }
0x67: {  	v59 =	vpop (erf)  }
0x68: {  	v37 =	vpop (erf)  }
0x69: {  	v38 =	vpop (erf)  }
0x6a: {  	v39 =	vpop (erf)  }
0x6b: {  	v40 =	vpop (erf)  }
0x6c: {  	v41 =	vpop (erf)  }
0x6d: {  	v42 =	vpop (erf)  }
0x6e: {  	v43 =	vpop (erf)  }
0x6f: {  	v44 =	vpop (erf)  }
0x70: {  	_ =	swait.ge [sflag:s14], $0x2000  }
0x71: {  	[sflag:s14] =	ssyncset.done $0x0  }
0x72: {  	[sflag:s14] =	ssyncadd.s32 $0xFFFFE000  }
0x73: {  	_ =	swait.ge [sflag:s15], $0x2000  }
0x74: {  	[sflag:s15] =	ssyncset.done $0x0  }
0x75: {  	s31 =	simm.s32 $0x0;
	[sflag:s15] =	ssyncadd.s32 $0xFFFFE000  }
0x76: {  	v45 =	vld [tilespmem:s31+$0x2070]  }
0x77: {  	v0 =	vadd.f32 v17, v0;
	v17 =	vld [tilespmem:s31+$0x6070]  }
0x78: {  	v2 =	vadd.f32 v16, v2;
	v16 =	vld [tilespmem:s31+$0x2000]  }
0x79: {  	v3 =	vadd.f32 v18, v3;
	v4 =	vadd.f32 v19, v4;
	v18 =	vld [tilespmem:s31+$0x6000]  }
0x7a: {  	v6 =	vadd.f32 v21, v6;
	v8 =	vadd.f32 v26, v8;
	v19 =	vld [tilespmem:s31+$0x2010]  }
0x7b: {  	v12 =	vadd.f32 v20, v12;
	v15 =	vadd.f32 v24, v15;
	v21 =	vld [tilespmem:s31+$0x6010]  }
0x7c: {  	v10 =	vadd.f32 v25, v10;
	v29 =	vadd.f32 v29, v4;
	v24 =	vld [tilespmem:s31+$0x2020]  }
0x7d: {  	v1 =	vadd.f32 v51, v1;
	v14 =	vadd.f32 v22, v14;
	v25 =	vld [tilespmem:s31+$0x6020]  }
0x7e: {  	v23 =	vadd.f32 v23, v2;
	v5 =	vadd.f32 v52, v5;
	v20 =	vld [tilespmem:s31+$0x2030]  }
0x7f: {  	v7 =	vadd.f32 v53, v7;
	v9 =	vadd.f32 v55, v9;
	v22 =	vld [tilespmem:s31+$0x6030]  }
0x80: {  	v11 =	vadd.f32 v35, v11;
	v13 =	vadd.f32 v36, v13;
	v26 =	vld [tilespmem:s31+$0x2040]  }
0x81: {  	s20 =	simm.s32 $0x80;
	v27 =	vadd.f32 v27, v3;
	v0 =	vadd.f32 v58, v0;
	v4 =	vld [tilespmem:s31+$0x2050];
	v17 =	vmul.f32 v17, v45  }
0x82: {  	v15 =	vadd.f32 v59, v15;
	v60 =	vadd.f32 v37, v1;
	v61 =	vld [tilespmem:s20+$0x2070]  }
0x83: {  	v62 =	vadd.f32 v42, v13;
	v16 =	vmul.f32 v18, v16;
	v18 =	vld [tilespmem:s31+$0x6040];
	v1 =	vmul.f32 $1.442695020e+00, v17  }
0x84: {  	v13 =	vld [tilespmem:s20+$0x6070];
	v3 =	vmul.f32 v21, v19;
	v21 =	vadd.f32 v39, v7;
	v7 =	vmul.f32 v25, v24  }
0x85: {  	v19 =	vadd.f32 v38, v5;
	v5 =	vld [tilespmem:s31+$0x6050];
	(erf) = vpow2.f32 v1;
	v1 =	vmul.f32 $1.442695020e+00, v16  }
0x86: {  	v24 =	vld [tilespmem:s31+$0x2060];
	v25 =	vadd.f32 v40, v9;
	v9 =	vmul.f32 v22, v20;
	v2 =	vmul.f32 $1.442695020e+00, v3  }
0x87: {  	v20 =	vld [tilespmem:s31+$0x6060];
	v22 =	vadd.f32 v41, v11;
	v11 =	vmul.f32 $1.442695020e+00, v7;
	(erf) = vpow2.f32 v1  }
0x88: {  	(erf) = vpow2.f32 v2;
	v2 =	vadd.f32 v43, v0;
	v0 =	vmul.f32 v18, v26;
	v18 =	vld [tilespmem:s20+$0x6000]  }
0x89: {  	v1 =	vadd.f32 v44, v15;
	v15 =	vmul.f32 $1.442695020e+00, v9;
	v26 =	vadd.f32 v3, v10;
	v10 =	vld [tilespmem:s20+$0x2010]  }
0x8a: {  	v17 =	vadd.f32 v17, v6;
	v4 =	vmul.f32 v5, v4;
	(erf) = vpow2.f32 v11;
	v11 =	vld [tilespmem:s20+$0x2000]  }
0x8b: {  	v6 =	vmul.f32 $1.442695020e+00, v0;
	(erf) = vpow2.f32 v15;
	v15 =	vadd.f32 v7, v12;
	v12 =	vld [tilespmem:s20+$0x6010]  }
0x8c: {  	v7 =	vmul.f32 $1.442695020e+00, v4  }
0x8d: {  	v4 =	vadd.f32 v4, v27;
	v27 =	vld [tilespmem:s20+$0x6030];
	(erf) = vpow2.f32 v6;
	v6 =	vmul.f32 v20, v24  }
0x8e: {  	v14 =	vadd.f32 v9, v14;
	v3 =	vadd.f32 v0, v23;
	v20 =	vld [tilespmem:s20+$0x2020];
	v0 =	vpop (erf);
	(erf) = vpow2.f32 v7  }
0x8f: {  	v9 =	vmul.f32 $1.442695020e+00, v6;
	v5 =	vadd.f32 v0, v60;
	v0 =	vmul.f32 v13, v61;
	v13 =	vld [tilespmem:s20+$0x6020]  }
0x90: {  	v16 =	vadd.f32 v16, v8;
	v24 =	vld [tilespmem:s20+$0x2030];
	v11 =	vmul.f32 v18, v11;
	v12 =	vmul.f32 v12, v10  }
0x91: {  	v7 =	vpop (erf);
	v18 =	vmul.f32 $1.442695020e+00, v0  }
0x92: {  	(erf) = vpow2.f32 v9;
	v9 =	vadd.f32 v11, v16;
	v8 =	vpop (erf);
	v0 =	vadd.f32 v0, v17  }
0x93: {  	v63 =	vld [tilespmem:s20+$0x6040];
	v8 =	vadd.f32 v8, v21;
	v10 =	vpop (erf);
	v21 =	vmul.f32 $1.442695020e+00, v11;
	(erf) = vpow2.f32 v18  }
0x94: {  	v17 =	vld [tilespmem:s20+$0x2040];
	v11 =	vadd.f32 v12, v26;
	v13 =	vmul.f32 v13, v20;
	v20 =	vmul.f32 $1.442695020e+00, v12;
	v12 =	vpop (erf)  }
0x95: {  	v16 =	vld [tilespmem:s20+$0x2050];
	v12 =	vadd.f32 v12, v22;
	v22 =	vmul.f32 v27, v24  }
0x96: {  	v7 =	vadd.f32 v7, v19;
	v19 =	vld [tilespmem:s20+$0x6050];
	(erf) = vpow2.f32 v21  }
0x97: {  	v6 =	vadd.f32 v6, v29;
	v10 =	vadd.f32 v10, v25;
	v18 =	vld [tilespmem:s20+$0x2060];
	v24 =	vpop (erf);
	v23 =	vmul.f32 $1.442695020e+00, v13  }
0x98: {  	s19 =	simm.s32 $0x100;
	v21 =	vld [tilespmem:s20+$0x6060];
	v13 =	vadd.f32 v13, v15;
	(erf) = vpow2.f32 v20;
	v15 =	vadd.f32 v24, v62  }
0x99: {  	s20 =	simm.s32 $0x600;
	v20 =	vld [tilespmem:s19+$0x2070];
	v17 =	vmul.f32 v63, v17;
	v24 =	vmul.f32 $1.442695020e+00, v22;
	v14 =	vadd.f32 v22, v14;
	v22 =	vpop (erf)  }
.LBB2_4:
0x9a: {  	p0 =	sne.s32 s20, $0x7E00;
	v25 =	vld [tilespmem:s19+$0x6070];
	(erf) = vpow2.f32 v23;
	v2 =	vadd.f32 v22, v2  }
0x9b: {  	v22 =	vld [tilespmem:s19+$0x2000];
	v23 =	vmul.f32 $1.442695020e+00, v17;
	v3 =	vadd.f32 v17, v3;
	v16 =	vmul.f32 v19, v16;
	v17 =	vpop (erf)  }
0x9c: {  	v19 =	vld [tilespmem:s19+$0x6000];
	(erf) = vpow2.f32 v24;
	v24 =	vpop (erf);
	v1 =	vadd.f32 v17, v1  }
0x9d: {  	v17 =	vld [tilespmem:s19+$0x2010];
	v26 =	vmul.f32 $1.442695020e+00, v16;
	v27 =	vmul.f32 v21, v18;
	v5 =	vadd.f32 v24, v5  }
0x9e: {  	v4 =	vadd.f32 v16, v4;
	v21 =	vld [tilespmem:s19+$0x6010];
	(erf) = vpow2.f32 v23  }
0x9f: {  	v16 =	vld [tilespmem:s19+$0x2020];
	v25 =	vmul.f32 v25, v20;
	v23 =	vmul.f32 $1.442695020e+00, v27;
	v6 =	vadd.f32 v27, v6;
	v18 =	vpop (erf)  }
0xa0: {  	v24 =	vld [tilespmem:s19+$0x6020];
	v7 =	vadd.f32 v18, v7;
	(erf) = vpow2.f32 v26  }
0xa1: {  	v18 =	vmul.f32 v19, v22;
	v22 =	vld [tilespmem:s19+$0x2030];
	v27 =	vmul.f32 $1.442695020e+00, v25;
	v0 =	vadd.f32 v25, v0;
	v20 =	vpop (erf)  }
0xa2: {  	v25 =	vld [tilespmem:s19+$0x6030];
	v8 =	vadd.f32 v20, v8;
	(erf) = vpow2.f32 v23  }
0xa3: {  	v9 =	vadd.f32 v18, v9;
	v17 =	vmul.f32 v21, v17;
	v26 =	vld [tilespmem:s19+$0x2040];
	(erf) = vpow2.f32 v27;
	v19 =	vpop (erf)  }
0xa4: {  	v18 =	vmul.f32 $1.442695020e+00, v18;
	v27 =	vld [tilespmem:s19+$0x6040];
	v10 =	vadd.f32 v19, v10  }
.Ltmp1:
0xa5: {  	v20 =	vmul.f32 $1.442695020e+00, v17;
	v11 =	vadd.f32 v17, v11;
	v17 =	vmul.f32 v24, v16;
	v16 =	vld [tilespmem:s19+$0x2050];
	v21 =	vpop (erf);
	(pc) =	sbr.rel @p0 .LBB2_4-.Ltmp1, $4  }
0xa6: {  	v19 =	vld [tilespmem:s19+$0x6050];
	(erf) = vpow2.f32 v18;
	v12 =	vadd.f32 v21, v12  }
0xa7: {  	v23 =	vmul.f32 $1.442695020e+00, v17;
	v13 =	vadd.f32 v17, v13;
	v17 =	vmul.f32 v25, v22;
	v18 =	vld [tilespmem:s19+$0x2060];
	v22 =	vpop (erf)  }
0xa8: {  	v21 =	vld [tilespmem:s19+$0x6060];
	s19 =	sshra.s32 s20, $0x2;
	(erf) = vpow2.f32 v20;
	v15 =	vadd.f32 v22, v15  }
0xa9: {  	s20 =	sadd.s32 $0x200, s20;
	v20 =	vld [tilespmem:s19+$0x2070];
	v24 =	vmul.f32 $1.442695020e+00, v17;
	v14 =	vadd.f32 v17, v14;
	v17 =	vmul.f32 v27, v26;
	v22 =	vpop (erf)  }
0xaa: {  	v25 =	vld [tilespmem:s19+$0x6070]  }
0xab: {  	v26 =	vld [tilespmem:s19+$0x2000]  }
0xac: {  	v27 =	vld [tilespmem:s19+$0x6000]  }
0xad: {  	v54 =	vld [tilespmem:s19+$0x2010]  }
0xae: {  	v55 =	vld [tilespmem:s19+$0x6010]  }
0xaf: {  	(erf) = vpow2.f32 v23;
	v56 =	vld [tilespmem:s19+$0x2020]  }
0xb0: {  	v58 =	vld [tilespmem:s19+$0x6020];
	v28 =	vmul.f32 $1.442695020e+00, v17;
	v16 =	vmul.f32 v19, v16  }
0xb1: {  	v29 =	vld [tilespmem:s19+$0x2030];
	(erf) = vpow2.f32 v24;
	v18 =	vmul.f32 v21, v18  }
0xb2: {  	v61 =	vld [tilespmem:s19+$0x6030];
	v57 =	vmul.f32 $1.442695020e+00, v16;
	(erf) = vpow2.f32 v28  }
0xb3: {  	v63 =	vld [tilespmem:s19+$0x2040];
	v20 =	vmul.f32 v25, v20;
	v59 =	vmul.f32 $1.442695020e+00, v18  }
0xb4: {  	v30 =	vld [tilespmem:s19+$0x6040];
	(erf) = vpow2.f32 v57;
	v60 =	vmul.f32 v27, v26  }
0xb5: {  	v37 =	vld [tilespmem:s19+$0x2050];
	v19 =	vmul.f32 v55, v54;
	v62 =	vmul.f32 $1.442695020e+00, v20  }
0xb6: {  	v33 =	vld [tilespmem:s19+$0x6050];
	(erf) = vpow2.f32 v59;
	v36 =	vmul.f32 $1.442695020e+00, v60  }
0xb7: {  	v35 =	vld [tilespmem:s19+$0x2060];
	v31 =	vpop (erf);
	v21 =	vmul.f32 v58, v56;
	(erf) = vpow2.f32 v62  }
0xb8: {  	v41 =	vld [tilespmem:s19+$0x6060];
	v38 =	vpop (erf);
	v32 =	vmul.f32 $1.442695020e+00, v19;
	(erf) = vpow2.f32 v36  }
0xb9: {  	v2 =	vadd.f32 v22, v2;
	v39 =	vpop (erf);
	v26 =	vmul.f32 v61, v29  }
0xba: {  	v3 =	vadd.f32 v17, v3;
	v34 =	vmul.f32 $1.442695020e+00, v21;
	v40 =	vpop (erf);
	(erf) = vpow2.f32 v32  }
0xbb: {  	v1 =	vadd.f32 v31, v1;
	v5 =	vadd.f32 v38, v5;
	v43 =	vmul.f32 v30, v63;
	v42 =	vpop (erf)  }
0xbc: {  	v4 =	vadd.f32 v16, v4;
	v45 =	vmul.f32 $1.442695020e+00, v26;
	v44 =	vpop (erf);
	(erf) = vpow2.f32 v34  }
0xbd: {  	v6 =	vadd.f32 v18, v6;
	v47 =	vmul.f32 v33, v37;
	v50 =	vmul.f32 v41, v35;
	v46 =	vpop (erf)  }
0xbe: {  	v7 =	vadd.f32 v39, v7;
	v49 =	vmul.f32 $1.442695020e+00, v43;
	(erf) = vpow2.f32 v45;
	v48 =	vpop (erf)  }
0xbf: {  	v9 =	vadd.f32 v60, v9;
	v53 =	vmul.f32 $1.442695020e+00, v47;
	v11 =	vadd.f32 v19, v11;
	v51 =	vpop (erf)  }
0xc0: {  	v13 =	vadd.f32 v21, v13;
	v14 =	vadd.f32 v26, v14;
	v52 =	vpop (erf);
	(erf) = vpow2.f32 v49  }
0xc1: {  	v55 =	vmul.f32 $1.442695020e+00, v50;
	v3 =	vadd.f32 v43, v3;
	v4 =	vadd.f32 v47, v4;
	v54 =	vpop (erf)  }
0xc2: {  	v8 =	vadd.f32 v40, v8;
	(erf) = vpow2.f32 v53;
	v7 =	vadd.f32 v54, v7  }
0xc3: {  	v9 =	vadd.f32 $0.0e+00, v9;
	v10 =	vadd.f32 v42, v10;
	v56 =	vpop (erf)  }
0xc4: {  	(erf) = vpow2.f32 v55;
	v8 =	vadd.f32 v56, v8;
	v7 =	vadd.f32 $0.0e+00, v7  }
0xc5: {  	v12 =	vadd.f32 v44, v12;
	v9 =	vadd.f32 v11, v9;
	v57 =	vpop (erf)  }
0xc6: {  	v10 =	vadd.f32 v57, v10;
	v7 =	vadd.f32 v8, v7  }
0xc7: {  	v15 =	vadd.f32 v46, v15;
	v9 =	vadd.f32 v13, v9;
	v58 =	vpop (erf)  }
0xc8: {  	v8 =	vadd.f32 v58, v12;
	v7 =	vadd.f32 v10, v7  }
0xc9: {  	v2 =	vadd.f32 v48, v2;
	v9 =	vadd.f32 v14, v9;
	v59 =	vpop (erf)  }
0xca: {  	v10 =	vadd.f32 v59, v15;
	v7 =	vadd.f32 v8, v7  }
0xcb: {  	v1 =	vadd.f32 v51, v1;
	v3 =	vadd.f32 v3, v9;
	v60 =	vpop (erf)  }
0xcc: {  	v2 =	vadd.f32 v60, v2;
	v7 =	vadd.f32 v10, v7  }
0xcd: {  	v6 =	vadd.f32 v50, v6;
	v3 =	vadd.f32 v4, v3;
	v61 =	vpop (erf)  }
0xce: {  	v1 =	vadd.f32 v61, v1;
	v2 =	vadd.f32 v2, v7  }
0xcf: {  	v0 =	vadd.f32 v20, v0;
	v63 =	vadd.f32 v6, v3  }
0xd0: {  	v62 =	vadd.f32 v52, v5;
	v1 =	vadd.f32 v1, v2  }
0xd1: {  	v0 =	vadd.f32 v0, v63  }
0xd2: {  	s18 =	sadd.s32 $0x1, s18;
	v1 =	vadd.f32 v62, v1  }
0xd3: {  	p0 =	sne.s32 s18, s8;
	[tilespmem:$0x8080] =	vst v0  }
.Ltmp2:
0xd4: {  	[tilespmem:$0x8000] =	vst v1;
	(pc) =	sbr.rel @p0 .LBB2_1-.Ltmp2, $4  }
0xd5: {  	[hbm4b:s7+s2] =	stream.linear.scatter [tilespmem:s16], [sflag:$0x5], $0x100, $0x38;
	[tilespmem:$0x8100] =	vst v63  }
0xd6: {  	_ =	swait.ge [sflag:s17], $0x100  }
0xd7: {  	[sflag:s17] =	ssyncset.done $0x0  }
0xd8: {  	[sflag:s17] =	ssyncadd.s32 $0xFFFFFF00  }
0xd9: {  	_ =	sfence.sel $0x180000  }
0xda: {  	[bflag:$0x0] =	sbarrier.arrive $0xFFFF  }
0xdb: {  	p0 =	sne.s32 s1, $0x0;
	_ =	strace $0x90000047  }
0xdc: {  	s0 =	sadd.s32 @!p0 $0x100000, s0;
	[bflag:$0x2] =	sbarrier.arrive $0xFFFF  }
0xdd: {  	[sflag:s0] =	ssyncadd.tile.s32 @!p0 $0x1;
	_ =	shalt  }
.Lfunc_end2:
_tile_overlayer_lowered:
.L_overlay_start_2:
0xde: {  	(tag) =	ssettag $0x2  }
0xdf: {  	s0 =	rddreg [dreg:$0x0];
	s2 =	stileid.u32  }
0xe0: {  	s1 =	rddreg [dreg:$0x1];
	p0 =	sne.s32 s2, $0x0  }
0xe1: {  	s3 =	rddreg [dreg:$0x2];
	[bflag:$0x3] =	sbarrier.arrive $0xFFFF;
	s2 =	simm.s32 @!p0 $0x1C05  }
0xe2: {  	[timem:s3], [sflag:s2] =	dma.local @!p0 [hbm:s0], s1  }
0xe3: {  	s0 =	simm.s32 @!p0 $0x5  }
0xe4: {  	_ =	swait.ge @!p0 [sflag:s0], s1  }
0xe5: {  	s1 =	ssub.s32 @!p0 $0x0, s1;
	[sflag:s0] =	ssyncset.done @!p0 $0x0  }
0xe6: {  	[sflag:s0] =	ssyncadd.s32 @!p0 s1  }
0xe7: {  	[bflag:$0x3] =	sbarrier.arrive $0xFFFF  }
0xe8: {  	_ =	shalt  }

</sc_bundles>
